<compile_context>
chip_gen: v7x
topology: tpu7x:2x2x1
jax: 0.10.2.dev20260603
libtpu: 0.0.44.dev20260713+nightly
codegen_flags: <defaults>
</compile_context>

<pallas_src>
import functools

import jax
import jax.numpy as jnp
from jax import lax
from jax.experimental import pallas as pl
from jax.experimental.pallas import tpu as pltpu
from jax.experimental.pallas import tpu_sc as plsc

M = 8192
K = 20
C = 64
CP = 128
BQ = 256
BQ3 = 512
E = M * K



_NT = M // 128
_R = 5


def _knn_body(pT_ref, p8_ref, f_ref, wd_ref, wg_ref, b1_ref,
              idx_ref, a_ref, g_ref, s_ref, wv_ref, wi_ref):
    pT = pT_ref[...]
    sq = jnp.sum(pT * pT, axis=0, keepdims=True)
    pb = p8_ref[...]
    s_ref[...] = sq + jax.lax.dot(
        pb, pT, preferred_element_type=jnp.float32)

    f = f_ref[...]
    a_ref[...] = jax.lax.dot(
        f, wd_ref[...], preferred_element_type=jnp.float32) + b1_ref[...]
    g_ref[...] = jax.lax.dot(
        f, wg_ref[...], preferred_element_type=jnp.float32)

    INF = jnp.float32(jnp.inf)
    lane128 = lax.broadcasted_iota(jnp.int32, (BQ, 128), 1)
    lane32 = lax.broadcasted_iota(jnp.int32, (BQ, 32), 1)

    def round_body(r, ti_prev):
        cm = jnp.full((BQ, 128), INF, jnp.float32)
        for t in range(_NT):
            seg = s_ref[:, t * 128:(t + 1) * 128]
            segm = jnp.where(ti_prev == t, INF, seg)
            s_ref[:, t * 128:(t + 1) * 128] = segm
            cm = jnp.minimum(cm, segm)
        arr = s_ref[...]
        ti = jnp.full((BQ, 128), _NT, jnp.int32)
        for t in range(_NT - 1, -1, -1):
            ti = jnp.where(arr[:, t * 128:(t + 1) * 128] == cm, t, ti)
        wv_ref[r] = cm
        wi_ref[r] = ti * 128 + lane128
        return ti

    lax.fori_loop(0, _R, round_body, jnp.full((BQ, 128), _NT, jnp.int32))

    BIG = jnp.int32(M)

    def merge_body(k, carry):
        h, hi, ptr, acc = carry
        m = jnp.min(h, axis=1, keepdims=True)
        hit = h == m
        gm = jnp.min(jnp.where(hit, hi, BIG), axis=1, keepdims=True)
        win = hit & (hi == gm)
        ptr = ptr + win.astype(jnp.int32)
        hn = jnp.full((BQ, 128), INF, jnp.float32)
        hin = jnp.full((BQ, 128), BIG, jnp.int32)
        for r in range(_R):
            cond = ptr == r
            hn = jnp.where(cond, wv_ref[r], hn)
            hin = jnp.where(cond, wi_ref[r], hin)
        return hn, hin, ptr, jnp.where(lane32 == k, gm, acc)

    _, _, ptr, acc = lax.fori_loop(
        0, K, merge_body,
        (wv_ref[0], wi_ref[0], jnp.zeros((BQ, 128), jnp.int32),
         jnp.zeros((BQ, 32), jnp.int32)))
    idx_ref[...] = acc[:, :K]

    viol = jnp.max(ptr) >= _R

    def fallback():
        s_ref[...] = sq + jax.lax.dot(
            pb, pT, preferred_element_type=jnp.float32)
        iota = lax.broadcasted_iota(jnp.int32, (BQ, M), 1)

        def body(k, acc):
            arr = s_ref[...]
            m = jnp.min(arr, axis=1, keepdims=True)
            hit = arr == m
            idxv = jnp.min(jnp.where(hit, iota, M), axis=1, keepdims=True)
            s_ref[...] = jnp.where(iota == idxv, INF, arr)
            return jnp.where(lane32 == k, idxv, acc)

        acc = lax.fori_loop(0, K, body, jnp.zeros((BQ, 32), jnp.int32))
        idx_ref[...] = acc[:, :K]

    lax.cond(viol, fallback, lambda: None)


def _knn_call(pT, p8, f, wd, wg, b1):
    return pl.pallas_call(
        _knn_body,
        grid=(M // BQ,),
        in_specs=[
            pl.BlockSpec((8, M), lambda i: (0, 0)),
            pl.BlockSpec((BQ, 8), lambda i: (i, 0)),
            pl.BlockSpec((BQ, C), lambda i: (i, 0)),
            pl.BlockSpec((C, C), lambda i: (0, 0)),
            pl.BlockSpec((C, CP), lambda i: (0, 0)),
            pl.BlockSpec((1, C), lambda i: (0, 0)),
        ],
        out_specs=[
            pl.BlockSpec((BQ, K), lambda i: (i, 0)),
            pl.BlockSpec((BQ, C), lambda i: (i, 0)),
            pl.BlockSpec((BQ, CP), lambda i: (i, 0)),
        ],
        out_shape=[
            jax.ShapeDtypeStruct((M, K), jnp.int32),
            jax.ShapeDtypeStruct((M, C), jnp.float32),
            jax.ShapeDtypeStruct((M, CP), jnp.float32),
        ],
        scratch_shapes=[
            pltpu.VMEM((BQ, M), jnp.float32),
            pltpu.VMEM((_R, BQ, 128), jnp.float32),
            pltpu.VMEM((_R, BQ, 128), jnp.int32),
        ],
    )(pT, p8, f, wd, wg, b1)



_NC, _NS = 2, 16
_NW = _NC * _NS
_BPW = E // _NW
_CH = 512
_NCH = _BPW // _CH
_SUB = _CH // 128


def _gather_fn():
    mesh = plsc.VectorSubcoreMesh(core_axis_name="c", subcore_axis_name="s")

    @functools.partial(
        pl.kernel, mesh=mesh,
        out_type=jax.ShapeDtypeStruct((E, CP), jnp.float32),
        scratch_types=[
            pltpu.VMEM((_CH,), jnp.int32),
            pltpu.VMEM((_CH, CP), jnp.float32),
            pltpu.SemaphoreType.DMA,
        ],
    )
    def gather_k(table_hbm, idx_hbm, out_hbm, idx_v, rows_v, sem):
        wid = lax.axis_index("s") * _NC + lax.axis_index("c")
        base = wid * _BPW

        def chunk(j, carry):
            off = base + j * _CH
            pltpu.sync_copy(idx_hbm.at[pl.ds(off, _CH)], idx_v)
            cps = [
                pltpu.async_copy(
                    table_hbm.at[idx_v.at[pl.ds(t * 128, 128)]],
                    rows_v.at[pl.ds(t * 128, 128), :],
                    sem)
                for t in range(_SUB)
            ]
            for cp in cps:
                cp.wait()
            pltpu.sync_copy(rows_v, out_hbm.at[pl.ds(off, _CH)])
            return carry

        lax.fori_loop(0, _NCH, chunk, 0)

    return gather_k




def _mlp_body(g3_ref, a_ref, w2_ref, b2_ref, o_ref):
    a = a_ref[...]
    w2 = w2_ref[...]
    acc = jnp.full((BQ3, C), -jnp.inf, jnp.float32)
    for k in range(K):
        e = jnp.maximum(g3_ref[k, :, :C] + a, 0.0)
        acc = jnp.maximum(
            acc, jax.lax.dot(e, w2, preferred_element_type=jnp.float32))
    o_ref[...] = acc + b2_ref[...]


def _mlp_call(g3, a, w2t, b2):
    return pl.pallas_call(
        _mlp_body,
        grid=(M // BQ3,),
        in_specs=[
            pl.BlockSpec((K, BQ3, CP), lambda i: (0, i, 0)),
            pl.BlockSpec((BQ3, C), lambda i: (i, 0)),
            pl.BlockSpec((C, C), lambda i: (0, 0)),
            pl.BlockSpec((1, C), lambda i: (0, 0)),
        ],
        out_specs=pl.BlockSpec((BQ3, C), lambda i: (i, 0)),
        out_shape=jax.ShapeDtypeStruct((M, C), jnp.float32),
    )(g3, a, w2t, b2)




def kernel(pos, features, W1, b1, W2, b2):
    B, N, _ = pos.shape
    p = pos.reshape(M, 3)
    f = features.reshape(M, C)

    p8 = jnp.concatenate([p, jnp.zeros((M, 5), jnp.float32)], axis=1)
    pT = p8.T
    p8 = -2.0 * p8
    wd = (W1[:, :C] - W1[:, C:]).T
    wg = jnp.concatenate(
        [W1[:, C:].T, jnp.zeros((C, CP - C), jnp.float32)], axis=1)

    idx, A, G = _knn_call(pT, p8, f, wd, wg, b1.reshape(1, C))

    idxT = idx.T.reshape(E)
    gathered = _gather_fn()(G, idxT)
    g3 = gathered.reshape(K, M, CP)

    x = _mlp_call(g3, A, W2.T, b2.reshape(1, C))
    return x.reshape(B, N, C)

# --- scband reference (transcript-rebuilt; emitter-appended) ---
"""Pipeline reference for scband-knnconv-35510789603930 (READ-ONLY COPY).

The authoritative reference and input builder live on the scoring server;
editing this copy changes nothing except your own understanding.
"""

import jax, jax.numpy as jnp
import numpy as np

K = 20

def setup_inputs(seed: int = 0) -> dict:
    key = jax.random.key(seed)
    k1, k2, k3, k4 = jax.random.split(key, 4)
    pos = jax.random.normal(k1, (2, 4096, 3), dtype=jnp.float32)
    features = jax.random.normal(k2, (2, 4096, 64), dtype=jnp.float32)
    W1 = jax.random.normal(k3, (64, 128), dtype=jnp.float32) * (1.0 / np.sqrt(128.0))
    b1 = jnp.zeros((64,), dtype=jnp.float32)
    W2 = jax.random.normal(k4, (64, 64), dtype=jnp.float32) * (1.0 / np.sqrt(64.0))
    b2 = jnp.zeros((64,), dtype=jnp.float32)
    return {"pos": pos, "features": features, "W1": W1, "b1": b1, "W2": W2, "b2": b2}

def reference(pos, features, W1, b1, W2, b2):
    B, N, _ = pos.shape
    C = features.shape[-1]
    p = pos.reshape(-1, 3)
    f = features.reshape(-1, C)
    M = p.shape[0]
    sq = jnp.sum(p * p, axis=1)
    d2 = sq[:, None] + sq[None, :] - 2.0 * (p @ p.T)
    d2 = jnp.maximum(d2, 0.0)
    dists = jnp.sqrt(d2)
    # torch.topk(largest=False) == top_k of negated distances
    _, knn_idx = jax.lax.top_k(-dists, K)  # [M, K]
    neighbor = jnp.take(f, knn_idx.reshape(-1), axis=0).reshape(M, K, C)
    expanded = jnp.broadcast_to(f[:, None, :], (M, K, C))
    edge = jnp.concatenate([expanded, neighbor - expanded], axis=-1)  # [M, K, 2C]
    h = jnp.maximum(edge @ W1.T + b1, 0.0)
    h = h @ W2.T + b2
    x = jnp.max(h, axis=1)  # aggr='max'
    return x.reshape(B, N, -1)

if __name__ == "__main__":
    import jax
    _d = setup_inputs()
    print(jax.jit(kernel)(*tuple(_d.values())))

</pallas_src>

<mosaic_0001>
#map = affine_map<(d0, d1) -> (0, 0)>
#map1 = affine_map<(d0, d1) -> (0)>
module attributes {stable_mosaic.version = 14 : i64} {
  func.func @gather_k(%arg0: i32, %arg1: i32, %arg2: memref<8192x128xf32, #tpu.memory_space<hbm>>, %arg3: memref<163840xi32, #tpu.memory_space<hbm>>, %arg4: memref<163840x128xf32, #tpu.memory_space<hbm>>, %arg5: memref<512xi32, #tpu.memory_space<vmem>>, %arg6: memref<512x128xf32, #tpu.memory_space<vmem>>, %arg7: memref<!tpu.dma_semaphore, #tpu.memory_space<semaphore_mem>>) attributes {dimension_semantics = [#tpu.dimension_semantics<core_parallel>, #tpu.dimension_semantics<subcore_parallel>], iteration_bounds = array<i64: 2, 16>, scalar_prefetch = 0 : i64, scratch_operands = 3 : i64, tpu.core_type = #tpu.core_type<sc_vector_subcore>, window_params = [{transform_indices = #map}, {transform_indices = #map1}, {transform_indices = #map}]} {
    %mul3A = arith.constant 2 : i32
    %mul3A_0 = arith.muli %arg1, %mul3A : i32
    %add3A = arith.addi %mul3A_0, %arg0 : i32
    %mul3A_1 = arith.constant 5120 : i32
    %mul3A_2 = arith.muli %add3A, %mul3A_1 : i32
    %scan3A = arith.constant 0 : i32
    %scan3A_3 = arith.constant 0 : i32
    %scan3A_4 = arith.constant 10 : i32
    %scan3A_5 = arith.addi %scan3A_3, %scan3A_4 : i32
    %scan3A_6 = arith.constant 1 : i32
    scf.for %scan3A_8 = %scan3A_3 to %scan3A_5 step %scan3A_6  : i32 {
      %mul3A_9 = arith.constant 512 : i32
      %mul3A_10 = arith.muli %scan3A_8, %mul3A_9 : i32
      %add3A_11 = arith.addi %mul3A_2, %mul3A_10 : i32
      "tpu.region"() ({
        %run_scoped3A = tpu.sem_alloc : memref<!tpu.dma_semaphore, #tpu.memory_space<semaphore_mem>>
        %dma_start3A_74 = tpu.memref_slice %arg3[%add3A_11] : memref<163840xi32, #tpu.memory_space<hbm>> -> memref<512xi32, #tpu.memory_space<hbm>>
        %dma_start3A_75 = tpu.memref_slice %arg3[%add3A_11] : memref<163840xi32, #tpu.memory_space<hbm>> -> memref<512xi32, #tpu.memory_space<hbm>>
        tpu.enqueue_dma source(%dma_start3A_75 : memref<512xi32, #tpu.memory_space<hbm>>) target(%arg5 : memref<512xi32, #tpu.memory_space<vmem>>) target_semaphore(%run_scoped3A : memref<!tpu.dma_semaphore, #tpu.memory_space<semaphore_mem>>)
        %dma_wait3A_76 = tpu.memref_slice %arg3[%add3A_11] : memref<163840xi32, #tpu.memory_space<hbm>> -> memref<512xi32, #tpu.memory_space<hbm>>
        %dma_wait3A_77 = tpu.memref_slice %arg3[%add3A_11] : memref<163840xi32, #tpu.memory_space<hbm>> -> memref<512xi32, #tpu.memory_space<hbm>>
        tpu.wait_dma2 semaphore(%run_scoped3A : memref<!tpu.dma_semaphore, #tpu.memory_space<semaphore_mem>>) src(%dma_wait3A_77 : memref<512xi32, #tpu.memory_space<hbm>>) dst(%arg5 : memref<512xi32, #tpu.memory_space<vmem>>)
        tpu.yield
      }) : () -> ()
      %dma_start3A = arith.constant 0 : i32
      %dma_start3A_12 = arith.constant 0 : i32
      %dma_start3A_13 = tpu.memref_slice %arg6[%dma_start3A, %dma_start3A_12] : memref<512x128xf32, #tpu.memory_space<vmem>> -> memref<128x128xf32, #tpu.memory_space<vmem>>
      %dma_start3A_14 = arith.constant 0 : i32
      %dma_start3A_15 = tpu.memref_slice %arg5[%dma_start3A_14] : memref<512xi32, #tpu.memory_space<vmem>> -> memref<128xi32, #tpu.memory_space<vmem>>
      %dma_start3A_16 = arith.constant 0 : i32
      %dma_start3A_17 = arith.constant 0 : i32
      %dma_start3A_18 = tpu.memref_slice %arg2[%dma_start3A_16, %dma_start3A_17] : memref<8192x128xf32, #tpu.memory_space<hbm>> -> memref<8192x128xf32, #tpu.memory_space<hbm>>
      tpu.enqueue_indirect_dma source(%dma_start3A_18 : memref<8192x128xf32, #tpu.memory_space<hbm>>) target(%dma_start3A_13 : memref<128x128xf32, #tpu.memory_space<vmem>>) offsets(%dma_start3A_15 : memref<128xi32, #tpu.memory_space<vmem>>) semaphore(%arg7 : memref<!tpu.dma_semaphore, #tpu.memory_space<semaphore_mem>>)
      %dma_start3A_19 = arith.constant 128 : i32
      %dma_start3A_20 = arith.constant 0 : i32
      %dma_start3A_21 = tpu.memref_slice %arg6[%dma_start3A_19, %dma_start3A_20] : memref<512x128xf32, #tpu.memory_space<vmem>> -> memref<128x128xf32, #tpu.memory_space<vmem>>
      %dma_start3A_22 = arith.constant 128 : i32
      %dma_start3A_23 = tpu.memref_slice %arg5[%dma_start3A_22] : memref<512xi32, #tpu.memory_space<vmem>> -> memref<128xi32, #tpu.memory_space<vmem>>
      %dma_start3A_24 = arith.constant 0 : i32
      %dma_start3A_25 = arith.constant 0 : i32
      %dma_start3A_26 = tpu.memref_slice %arg2[%dma_start3A_24, %dma_start3A_25] : memref<8192x128xf32, #tpu.memory_space<hbm>> -> memref<8192x128xf32, #tpu.memory_space<hbm>>
      tpu.enqueue_indirect_dma source(%dma_start3A_26 : memref<8192x128xf32, #tpu.memory_space<hbm>>) target(%dma_start3A_21 : memref<128x128xf32, #tpu.memory_space<vmem>>) offsets(%dma_start3A_23 : memref<128xi32, #tpu.memory_space<vmem>>) semaphore(%arg7 : memref<!tpu.dma_semaphore, #tpu.memory_space<semaphore_mem>>)
      %dma_start3A_27 = arith.constant 256 : i32
      %dma_start3A_28 = arith.constant 0 : i32
      %dma_start3A_29 = tpu.memref_slice %arg6[%dma_start3A_27, %dma_start3A_28] : memref<512x128xf32, #tpu.memory_space<vmem>> -> memref<128x128xf32, #tpu.memory_space<vmem>>
      %dma_start3A_30 = arith.constant 256 : i32
      %dma_start3A_31 = tpu.memref_slice %arg5[%dma_start3A_30] : memref<512xi32, #tpu.memory_space<vmem>> -> memref<128xi32, #tpu.memory_space<vmem>>
      %dma_start3A_32 = arith.constant 0 : i32
      %dma_start3A_33 = arith.constant 0 : i32
      %dma_start3A_34 = tpu.memref_slice %arg2[%dma_start3A_32, %dma_start3A_33] : memref<8192x128xf32, #tpu.memory_space<hbm>> -> memref<8192x128xf32, #tpu.memory_space<hbm>>
      tpu.enqueue_indirect_dma source(%dma_start3A_34 : memref<8192x128xf32, #tpu.memory_space<hbm>>) target(%dma_start3A_29 : memref<128x128xf32, #tpu.memory_space<vmem>>) offsets(%dma_start3A_31 : memref<128xi32, #tpu.memory_space<vmem>>) semaphore(%arg7 : memref<!tpu.dma_semaphore, #tpu.memory_space<semaphore_mem>>)
      %dma_start3A_35 = arith.constant 384 : i32
      %dma_start3A_36 = arith.constant 0 : i32
      %dma_start3A_37 = tpu.memref_slice %arg6[%dma_start3A_35, %dma_start3A_36] : memref<512x128xf32, #tpu.memory_space<vmem>> -> memref<128x128xf32, #tpu.memory_space<vmem>>
      %dma_start3A_38 = arith.constant 384 : i32
      %dma_start3A_39 = tpu.memref_slice %arg5[%dma_start3A_38] : memref<512xi32, #tpu.memory_space<vmem>> -> memref<128xi32, #tpu.memory_space<vmem>>
      %dma_start3A_40 = arith.constant 0 : i32
      %dma_start3A_41 = arith.constant 0 : i32
      %dma_start3A_42 = tpu.memref_slice %arg2[%dma_start3A_40, %dma_start3A_41] : memref<8192x128xf32, #tpu.memory_space<hbm>> -> memref<8192x128xf32, #tpu.memory_space<hbm>>
      tpu.enqueue_indirect_dma source(%dma_start3A_42 : memref<8192x128xf32, #tpu.memory_space<hbm>>) target(%dma_start3A_37 : memref<128x128xf32, #tpu.memory_space<vmem>>) offsets(%dma_start3A_39 : memref<128xi32, #tpu.memory_space<vmem>>) semaphore(%arg7 : memref<!tpu.dma_semaphore, #tpu.memory_space<semaphore_mem>>)
      %dma_wait3A = arith.constant 0 : i32
      %dma_wait3A_43 = arith.constant 0 : i32
      %dma_wait3A_44 = tpu.memref_slice %arg6[%dma_wait3A, %dma_wait3A_43] : memref<512x128xf32, #tpu.memory_space<vmem>> -> memref<128x128xf32, #tpu.memory_space<vmem>>
      %dma_wait3A_45 = arith.constant 0 : i32
      %dma_wait3A_46 = tpu.memref_slice %arg5[%dma_wait3A_45] : memref<512xi32, #tpu.memory_space<vmem>> -> memref<128xi32, #tpu.memory_space<vmem>>
      %dma_wait3A_47 = arith.constant 0 : i32
      %dma_wait3A_48 = arith.constant 0 : i32
      %dma_wait3A_49 = tpu.memref_slice %arg2[%dma_wait3A_47, %dma_wait3A_48] : memref<8192x128xf32, #tpu.memory_space<hbm>> -> memref<8192x128xf32, #tpu.memory_space<hbm>>
      tpu.wait_indirect_dma semaphore(%arg7 : memref<!tpu.dma_semaphore, #tpu.memory_space<semaphore_mem>>) src(%dma_wait3A_49 : memref<8192x128xf32, #tpu.memory_space<hbm>>) dst(%dma_wait3A_44 : memref<128x128xf32, #tpu.memory_space<vmem>>)
      %dma_wait3A_50 = arith.constant 128 : i32
      %dma_wait3A_51 = arith.constant 0 : i32
      %dma_wait3A_52 = tpu.memref_slice %arg6[%dma_wait3A_50, %dma_wait3A_51] : memref<512x128xf32, #tpu.memory_space<vmem>> -> memref<128x128xf32, #tpu.memory_space<vmem>>
      %dma_wait3A_53 = arith.constant 128 : i32
      %dma_wait3A_54 = tpu.memref_slice %arg5[%dma_wait3A_53] : memref<512xi32, #tpu.memory_space<vmem>> -> memref<128xi32, #tpu.memory_space<vmem>>
      %dma_wait3A_55 = arith.constant 0 : i32
      %dma_wait3A_56 = arith.constant 0 : i32
      %dma_wait3A_57 = tpu.memref_slice %arg2[%dma_wait3A_55, %dma_wait3A_56] : memref<8192x128xf32, #tpu.memory_space<hbm>> -> memref<8192x128xf32, #tpu.memory_space<hbm>>
      tpu.wait_indirect_dma semaphore(%arg7 : memref<!tpu.dma_semaphore, #tpu.memory_space<semaphore_mem>>) src(%dma_wait3A_57 : memref<8192x128xf32, #tpu.memory_space<hbm>>) dst(%dma_wait3A_52 : memref<128x128xf32, #tpu.memory_space<vmem>>)
      %dma_wait3A_58 = arith.constant 256 : i32
      %dma_wait3A_59 = arith.constant 0 : i32
      %dma_wait3A_60 = tpu.memref_slice %arg6[%dma_wait3A_58, %dma_wait3A_59] : memref<512x128xf32, #tpu.memory_space<vmem>> -> memref<128x128xf32, #tpu.memory_space<vmem>>
      %dma_wait3A_61 = arith.constant 256 : i32
      %dma_wait3A_62 = tpu.memref_slice %arg5[%dma_wait3A_61] : memref<512xi32, #tpu.memory_space<vmem>> -> memref<128xi32, #tpu.memory_space<vmem>>
      %dma_wait3A_63 = arith.constant 0 : i32
      %dma_wait3A_64 = arith.constant 0 : i32
      %dma_wait3A_65 = tpu.memref_slice %arg2[%dma_wait3A_63, %dma_wait3A_64] : memref<8192x128xf32, #tpu.memory_space<hbm>> -> memref<8192x128xf32, #tpu.memory_space<hbm>>
      tpu.wait_indirect_dma semaphore(%arg7 : memref<!tpu.dma_semaphore, #tpu.memory_space<semaphore_mem>>) src(%dma_wait3A_65 : memref<8192x128xf32, #tpu.memory_space<hbm>>) dst(%dma_wait3A_60 : memref<128x128xf32, #tpu.memory_space<vmem>>)
      %dma_wait3A_66 = arith.constant 384 : i32
      %dma_wait3A_67 = arith.constant 0 : i32
      %dma_wait3A_68 = tpu.memref_slice %arg6[%dma_wait3A_66, %dma_wait3A_67] : memref<512x128xf32, #tpu.memory_space<vmem>> -> memref<128x128xf32, #tpu.memory_space<vmem>>
      %dma_wait3A_69 = arith.constant 384 : i32
      %dma_wait3A_70 = tpu.memref_slice %arg5[%dma_wait3A_69] : memref<512xi32, #tpu.memory_space<vmem>> -> memref<128xi32, #tpu.memory_space<vmem>>
      %dma_wait3A_71 = arith.constant 0 : i32
      %dma_wait3A_72 = arith.constant 0 : i32
      %dma_wait3A_73 = tpu.memref_slice %arg2[%dma_wait3A_71, %dma_wait3A_72] : memref<8192x128xf32, #tpu.memory_space<hbm>> -> memref<8192x128xf32, #tpu.memory_space<hbm>>
      tpu.wait_indirect_dma semaphore(%arg7 : memref<!tpu.dma_semaphore, #tpu.memory_space<semaphore_mem>>) src(%dma_wait3A_73 : memref<8192x128xf32, #tpu.memory_space<hbm>>) dst(%dma_wait3A_68 : memref<128x128xf32, #tpu.memory_space<vmem>>)
      "tpu.region"() ({
        %run_scoped3A = tpu.sem_alloc : memref<!tpu.dma_semaphore, #tpu.memory_space<semaphore_mem>>
        %dma_start3A_74 = arith.constant 0 : i32
        %dma_start3A_75 = tpu.memref_slice %arg4[%add3A_11, %dma_start3A_74] : memref<163840x128xf32, #tpu.memory_space<hbm>> -> memref<512x128xf32, #tpu.memory_space<hbm>>
        %dma_start3A_76 = arith.constant 0 : i32
        %dma_start3A_77 = tpu.memref_slice %arg4[%add3A_11, %dma_start3A_76] : memref<163840x128xf32, #tpu.memory_space<hbm>> -> memref<512x128xf32, #tpu.memory_space<hbm>>
        tpu.enqueue_dma source(%arg6 : memref<512x128xf32, #tpu.memory_space<vmem>>) target(%dma_start3A_77 : memref<512x128xf32, #tpu.memory_space<hbm>>) target_semaphore(%run_scoped3A : memref<!tpu.dma_semaphore, #tpu.memory_space<semaphore_mem>>)
        %dma_wait3A_78 = arith.constant 0 : i32
        %dma_wait3A_79 = tpu.memref_slice %arg4[%add3A_11, %dma_wait3A_78] : memref<163840x128xf32, #tpu.memory_space<hbm>> -> memref<512x128xf32, #tpu.memory_space<hbm>>
        %dma_wait3A_80 = arith.constant 0 : i32
        %dma_wait3A_81 = tpu.memref_slice %arg4[%add3A_11, %dma_wait3A_80] : memref<163840x128xf32, #tpu.memory_space<hbm>> -> memref<512x128xf32, #tpu.memory_space<hbm>>
        tpu.wait_dma2 semaphore(%run_scoped3A : memref<!tpu.dma_semaphore, #tpu.memory_space<semaphore_mem>>) src(%arg6 : memref<512x128xf32, #tpu.memory_space<vmem>>) dst(%dma_wait3A_81 : memref<512x128xf32, #tpu.memory_space<hbm>>)
        tpu.yield
      }) : () -> ()
    }
    %scan3A_7 = arith.constant 10 : i32
    return
  }
}

module attributes {stable_mosaic.version = 14 : i64} {
  func.func @_knn_body(%arg0: i32, %arg1: memref<8x8192xf32, #tpu.memory_space<vmem>>, %arg2: memref<256x8xf32, #tpu.memory_space<vmem>>, %arg3: memref<256x64xf32, #tpu.memory_space<vmem>>, %arg4: memref<64x64xf32, #tpu.memory_space<vmem>>, %arg5: memref<64x128xf32, #tpu.memory_space<vmem>>, %arg6: memref<1x64xf32, #tpu.memory_space<vmem>>, %arg7: memref<256x20xi32, #tpu.memory_space<vmem>>, %arg8: memref<256x64xf32, #tpu.memory_space<vmem>>, %arg9: memref<256x128xf32, #tpu.memory_space<vmem>>, %arg10: memref<256x8192xf32, #tpu.memory_space<vmem>>, %arg11: memref<5x256x128xf32, #tpu.memory_space<vmem>>, %arg12: memref<5x256x128xi32, #tpu.memory_space<vmem>>) attributes {dimension_semantics = [#tpu.dimension_semantics<arbitrary>], iteration_bounds = array<i64: 32>, scalar_prefetch = 0 : i64, scratch_operands = 3 : i64, tpu.core_type = #tpu.core_type<tc>, window_params = [{pipeline_mode = #tpu.pipeline_mode<synchronous>, transform_indices = @transform_0, window_bounds = array<i64: 8, 8192>}, {transform_indices = @transform_1, window_bounds = array<i64: 256, 8>}, {transform_indices = @transform_2, window_bounds = array<i64: 256, 64>}, {pipeline_mode = #tpu.pipeline_mode<synchronous>, transform_indices = @transform_3, window_bounds = array<i64: 64, 64>}, {pipeline_mode = #tpu.pipeline_mode<synchronous>, transform_indices = @transform_4, window_bounds = array<i64: 64, 128>}, {pipeline_mode = #tpu.pipeline_mode<synchronous>, transform_indices = @transform_5, window_bounds = array<i64: 1, 64>}, {transform_indices = @transform_6, window_bounds = array<i64: 256, 20>}, {transform_indices = @transform_7, window_bounds = array<i64: 256, 64>}, {transform_indices = @transform_8, window_bounds = array<i64: 256, 128>}]} {
    %get3A = arith.constant 0 : index
    %get3A_0 = arith.constant 0 : index
    %get3A_1 = vector.load %arg1[%get3A, %get3A_0] : memref<8x8192xf32, #tpu.memory_space<vmem>>, vector<8x8192xf32>
    %mul3A = arith.mulf %get3A_1, %get3A_1 : vector<8x8192xf32>
    %reduce_sum3A = arith.constant dense<0.000000e+00> : vector<8192xf32>
    %reduce_sum3A_2 = vector.multi_reduction <add>, %mul3A, %reduce_sum3A [0] : vector<8x8192xf32> to vector<8192xf32>
    %broadcast_in_dim3A = vector.shape_cast %reduce_sum3A_2 : vector<8192xf32> to vector<1x8192xf32>
    %get3A_3 = arith.constant 0 : index
    %get3A_4 = arith.constant 0 : index
    %get3A_5 = vector.load %arg2[%get3A_3, %get3A_4] : memref<256x8xf32, #tpu.memory_space<vmem>>, vector<256x8xf32>
    %dot_general3A = arith.constant dense<0.000000e+00> : vector<256x8192xf32>
    %dot_general3A_6 = tpu.matmul %get3A_5, %get3A_1, %dot_general3A {dimension_numbers = #tpu.dot_dimension_numbers<[1], [0], [0], [1], [0, 0, 1, 1], [], []>, transpose_lhs_hint = false} : vector<256x8xf32>, vector<8x8192xf32>, vector<256x8192xf32> -> vector<256x8192xf32>
    %add3A = vector.broadcast %broadcast_in_dim3A : vector<1x8192xf32> to vector<256x8192xf32>
    %add3A_7 = arith.addf %add3A, %dot_general3A_6 : vector<256x8192xf32>
    %swap3A = arith.constant 0 : index
    %swap3A_8 = arith.constant 0 : index
    %swap3A_9 = vector.load %arg10[%swap3A, %swap3A_8] : memref<256x8192xf32, #tpu.memory_space<vmem>>, vector<256x8192xf32>
    tpu.vector_store %arg10[%swap3A, %swap3A_8], %add3A_7 {strides = array<i32>} : memref<256x8192xf32, #tpu.memory_space<vmem>>, vector<256x8192xf32>,
    %get3A_10 = arith.constant 0 : index
    %get3A_11 = arith.constant 0 : index
    %get3A_12 = vector.load %arg3[%get3A_10, %get3A_11] : memref<256x64xf32, #tpu.memory_space<vmem>>, vector<256x64xf32>
    %get3A_13 = arith.constant 0 : index
    %get3A_14 = arith.constant 0 : index
    %get3A_15 = vector.load %arg4[%get3A_13, %get3A_14] : memref<64x64xf32, #tpu.memory_space<vmem>>, vector<64x64xf32>
    %dot_general3A_16 = arith.constant dense<0.000000e+00> : vector<256x64xf32>
    %dot_general3A_17 = tpu.matmul %get3A_12, %get3A_15, %dot_general3A_16 {dimension_numbers = #tpu.dot_dimension_numbers<[1], [0], [0], [1], [0, 0, 1, 1], [], []>, transpose_lhs_hint = false} : vector<256x64xf32>, vector<64x64xf32>, vector<256x64xf32> -> vector<256x64xf32>
    %get3A_18 = arith.constant 0 : index
    %get3A_19 = arith.constant 0 : index
    %get3A_20 = vector.load %arg6[%get3A_18, %get3A_19] : memref<1x64xf32, #tpu.memory_space<vmem>>, vector<1x64xf32>
    %add3A_21 = vector.broadcast %get3A_20 : vector<1x64xf32> to vector<256x64xf32>
    %add3A_22 = arith.addf %dot_general3A_17, %add3A_21 : vector<256x64xf32>
    %swap3A_23 = arith.constant 0 : index
    %swap3A_24 = arith.constant 0 : index
    %swap3A_25 = vector.load %arg8[%swap3A_23, %swap3A_24] : memref<256x64xf32, #tpu.memory_space<vmem>>, vector<256x64xf32>
    tpu.vector_store %arg8[%swap3A_23, %swap3A_24], %add3A_22 {strides = array<i32>} : memref<256x64xf32, #tpu.memory_space<vmem>>, vector<256x64xf32>,
    %get3A_26 = arith.constant 0 : index
    %get3A_27 = arith.constant 0 : index
    %get3A_28 = vector.load %arg5[%get3A_26, %get3A_27] : memref<64x128xf32, #tpu.memory_space<vmem>>, vector<64x128xf32>
    %dot_general3A_29 = arith.constant dense<0.000000e+00> : vector<256x128xf32>
    %dot_general3A_30 = tpu.matmul %get3A_12, %get3A_28, %dot_general3A_29 {dimension_numbers = #tpu.dot_dimension_numbers<[1], [0], [0], [1], [0, 0, 1, 1], [], []>, transpose_lhs_hint = false} : vector<256x64xf32>, vector<64x128xf32>, vector<256x128xf32> -> vector<256x128xf32>
    %swap3A_31 = arith.constant 0 : index
    %swap3A_32 = arith.constant 0 : index
    %swap3A_33 = vector.load %arg9[%swap3A_31, %swap3A_32] : memref<256x128xf32, #tpu.memory_space<vmem>>, vector<256x128xf32>
    tpu.vector_store %arg9[%swap3A_31, %swap3A_32], %dot_general3A_30 {strides = array<i32>} : memref<256x128xf32, #tpu.memory_space<vmem>>, vector<256x128xf32>,
    %iota3A = tpu.iota {dimensions = array<i32: 1>} : vector<256x128xi32>
    %iota3A_34 = tpu.iota {dimensions = array<i32: 1>} : vector<256x32xi32>
    %broadcast_in_dim3A_35 = arith.constant 64 : i32
    %broadcast_in_dim3A_36 = vector.broadcast %broadcast_in_dim3A_35 : i32 to vector<256x128xi32>
    %scan3A = arith.constant 0x7F800000 : f32
    %scan3A_37 = arith.constant 0 : i32
    %scan3A_38 = arith.constant 5 : i32
    %scan3A_39 = arith.addi %scan3A_37, %scan3A_38 : i32
    %scan3A_40 = arith.constant 1 : i32
    %scan3A_41 = scf.for %scan3A_75 = %scan3A_37 to %scan3A_39 step %scan3A_40 iter_args(%scan3A_76 = %broadcast_in_dim3A_36) -> (vector<256x128xi32>)  : i32 {
      %broadcast_in_dim3A_77 = vector.broadcast %scan3A : f32 to vector<256x128xf32>
      %get3A_78 = arith.constant 0 : index
      %get3A_79 = arith.constant 0 : index
      %get3A_80 = vector.load %arg10[%get3A_78, %get3A_79] : memref<256x8192xf32, #tpu.memory_space<vmem>>, vector<256x128xf32>
      %eq3A = arith.constant 0 : i32
      %eq3A_81 = vector.broadcast %eq3A : i32 to vector<256x128xi32>
      %eq3A_82 = arith.cmpi eq, %scan3A_76, %eq3A_81 : vector<256x128xi32>
      %broadcast_in_dim3A_83 = vector.broadcast %scan3A : f32 to vector<256x128xf32>
      %select_n3A = arith.select %eq3A_82, %broadcast_in_dim3A_83, %get3A_80 : vector<256x128xi1>, vector<256x128xf32>
      %swap3A_84 = arith.constant 0 : index
      %swap3A_85 = arith.constant 0 : index
      %swap3A_86 = vector.load %arg10[%swap3A_84, %swap3A_85] : memref<256x8192xf32, #tpu.memory_space<vmem>>, vector<256x128xf32>
      tpu.vector_store %arg10[%swap3A_84, %swap3A_85], %select_n3A {strides = array<i32>} : memref<256x8192xf32, #tpu.memory_space<vmem>>, vector<256x128xf32>,
      %min3A = arith.minimumf %broadcast_in_dim3A_77, %select_n3A : vector<256x128xf32>
      %get3A_87 = arith.constant 0 : index
      %get3A_88 = arith.constant 128 : index
      %get3A_89 = vector.load %arg10[%get3A_87, %get3A_88] : memref<256x8192xf32, #tpu.memory_space<vmem>>, vector<256x128xf32>
      %eq3A_90 = arith.constant 1 : i32
      %eq3A_91 = vector.broadcast %eq3A_90 : i32 to vector<256x128xi32>
      %eq3A_92 = arith.cmpi eq, %scan3A_76, %eq3A_91 : vector<256x128xi32>
      %broadcast_in_dim3A_93 = vector.broadcast %scan3A : f32 to vector<256x128xf32>
      %select_n3A_94 = arith.select %eq3A_92, %broadcast_in_dim3A_93, %get3A_89 : vector<256x128xi1>, vector<256x128xf32>
      %swap3A_95 = arith.constant 0 : index
      %swap3A_96 = arith.constant 128 : index
      %swap3A_97 = vector.load %arg10[%swap3A_95, %swap3A_96] : memref<256x8192xf32, #tpu.memory_space<vmem>>, vector<256x128xf32>
      tpu.vector_store %arg10[%swap3A_95, %swap3A_96], %select_n3A_94 {strides = array<i32>} : memref<256x8192xf32, #tpu.memory_space<vmem>>, vector<256x128xf32>,
      %min3A_98 = arith.minimumf %min3A, %select_n3A_94 : vector<256x128xf32>
      %get3A_99 = arith.constant 0 : index
      %get3A_100 = arith.constant 256 : index
      %get3A_101 = vector.load %arg10[%get3A_99, %get3A_100] : memref<256x8192xf32, #tpu.memory_space<vmem>>, vector<256x128xf32>
      %eq3A_102 = arith.constant 2 : i32
      %eq3A_103 = vector.broadcast %eq3A_102 : i32 to vector<256x128xi32>
      %eq3A_104 = arith.cmpi eq, %scan3A_76, %eq3A_103 : vector<256x128xi32>
      %broadcast_in_dim3A_105 = vector.broadcast %scan3A : f32 to vector<256x128xf32>
      %select_n3A_106 = arith.select %eq3A_104, %broadcast_in_dim3A_105, %get3A_101 : vector<256x128xi1>, vector<256x128xf32>
      %swap3A_107 = arith.constant 0 : index
      %swap3A_108 = arith.constant 256 : index
      %swap3A_109 = vector.load %arg10[%swap3A_107, %swap3A_108] : memref<256x8192xf32, #tpu.memory_space<vmem>>, vector<256x128xf32>
      tpu.vector_store %arg10[%swap3A_107, %swap3A_108], %select_n3A_106 {strides = array<i32>} : memref<256x8192xf32, #tpu.memory_space<vmem>>, vector<256x128xf32>,
      %min3A_110 = arith.minimumf %min3A_98, %select_n3A_106 : vector<256x128xf32>
      %get3A_111 = arith.constant 0 : index
      %get3A_112 = arith.constant 384 : index
      %get3A_113 = vector.load %arg10[%get3A_111, %get3A_112] : memref<256x8192xf32, #tpu.memory_space<vmem>>, vector<256x128xf32>
      %eq3A_114 = arith.constant 3 : i32
      %eq3A_115 = vector.broadcast %eq3A_114 : i32 to vector<256x128xi32>
      %eq3A_116 = arith.cmpi eq, %scan3A_76, %eq3A_115 : vector<256x128xi32>
      %broadcast_in_dim3A_117 = vector.broadcast %scan3A : f32 to vector<256x128xf32>
      %select_n3A_118 = arith.select %eq3A_116, %broadcast_in_dim3A_117, %get3A_113 : vector<256x128xi1>, vector<256x128xf32>
      %swap3A_119 = arith.constant 0 : index
      %swap3A_120 = arith.constant 384 : index
      %swap3A_121 = vector.load %arg10[%swap3A_119, %swap3A_120] : memref<256x8192xf32, #tpu.memory_space<vmem>>, vector<256x128xf32>
      tpu.vector_store %arg10[%swap3A_119, %swap3A_120], %select_n3A_118 {strides = array<i32>} : memref<256x8192xf32, #tpu.memory_space<vmem>>, vector<256x128xf32>,
      %min3A_122 = arith.minimumf %min3A_110, %select_n3A_118 : vector<256x128xf32>
      %get3A_123 = arith.constant 0 : index
      %get3A_124 = arith.constant 512 : index
      %get3A_125 = vector.load %arg10[%get3A_123, %get3A_124] : memref<256x8192xf32, #tpu.memory_space<vmem>>, vector<256x128xf32>
      %eq3A_126 = arith.constant 4 : i32
      %eq3A_127 = vector.broadcast %eq3A_126 : i32 to vector<256x128xi32>
      %eq3A_128 = arith.cmpi eq, %scan3A_76, %eq3A_127 : vector<256x128xi32>
      %broadcast_in_dim3A_129 = vector.broadcast %scan3A : f32 to vector<256x128xf32>
      %select_n3A_130 = arith.select %eq3A_128, %broadcast_in_dim3A_129, %get3A_125 : vector<256x128xi1>, vector<256x128xf32>
      %swap3A_131 = arith.constant 0 : index
      %swap3A_132 = arith.constant 512 : index
      %swap3A_133 = vector.load %arg10[%swap3A_131, %swap3A_132] : memref<256x8192xf32, #tpu.memory_space<vmem>>, vector<256x128xf32>
      tpu.vector_store %arg10[%swap3A_131, %swap3A_132], %select_n3A_130 {strides = array<i32>} : memref<256x8192xf32, #tpu.memory_space<vmem>>, vector<256x128xf32>,
      %min3A_134 = arith.minimumf %min3A_122, %select_n3A_130 : vector<256x128xf32>
      %get3A_135 = arith.constant 0 : index
      %get3A_136 = arith.constant 640 : index
      %get3A_137 = vector.load %arg10[%get3A_135, %get3A_136] : memref<256x8192xf32, #tpu.memory_space<vmem>>, vector<256x128xf32>
      %eq3A_138 = arith.constant 5 : i32
      %eq3A_139 = vector.broadcast %eq3A_138 : i32 to vector<256x128xi32>
      %eq3A_140 = arith.cmpi eq, %scan3A_76, %eq3A_139 : vector<256x128xi32>
      %broadcast_in_dim3A_141 = vector.broadcast %scan3A : f32 to vector<256x128xf32>
      %select_n3A_142 = arith.select %eq3A_140, %broadcast_in_dim3A_141, %get3A_137 : vector<256x128xi1>, vector<256x128xf32>
      %swap3A_143 = arith.constant 0 : index
      %swap3A_144 = arith.constant 640 : index
      %swap3A_145 = vector.load %arg10[%swap3A_143, %swap3A_144] : memref<256x8192xf32, #tpu.memory_space<vmem>>, vector<256x128xf32>
      tpu.vector_store %arg10[%swap3A_143, %swap3A_144], %select_n3A_142 {strides = array<i32>} : memref<256x8192xf32, #tpu.memory_space<vmem>>, vector<256x128xf32>,
      %min3A_146 = arith.minimumf %min3A_134, %select_n3A_142 : vector<256x128xf32>
      %get3A_147 = arith.constant 0 : index
      %get3A_148 = arith.constant 768 : index
      %get3A_149 = vector.load %arg10[%get3A_147, %get3A_148] : memref<256x8192xf32, #tpu.memory_space<vmem>>, vector<256x128xf32>
      %eq3A_150 = arith.constant 6 : i32
      %eq3A_151 = vector.broadcast %eq3A_150 : i32 to vector<256x128xi32>
      %eq3A_152 = arith.cmpi eq, %scan3A_76, %eq3A_151 : vector<256x128xi32>
      %broadcast_in_dim3A_153 = vector.broadcast %scan3A : f32 to vector<256x128xf32>
      %select_n3A_154 = arith.select %eq3A_152, %broadcast_in_dim3A_153, %get3A_149 : vector<256x128xi1>, vector<256x128xf32>
      %swap3A_155 = arith.constant 0 : index
      %swap3A_156 = arith.constant 768 : index
      %swap3A_157 = vector.load %arg10[%swap3A_155, %swap3A_156] : memref<256x8192xf32, #tpu.memory_space<vmem>>, vector<256x128xf32>
      tpu.vector_store %arg10[%swap3A_155, %swap3A_156], %select_n3A_154 {strides = array<i32>} : memref<256x8192xf32, #tpu.memory_space<vmem>>, vector<256x128xf32>,
      %min3A_158 = arith.minimumf %min3A_146, %select_n3A_154 : vector<256x128xf32>
      %get3A_159 = arith.constant 0 : index
      %get3A_160 = arith.constant 896 : index
      %get3A_161 = vector.load %arg10[%get3A_159, %get3A_160] : memref<256x8192xf32, #tpu.memory_space<vmem>>, vector<256x128xf32>
      %eq3A_162 = arith.constant 7 : i32
      %eq3A_163 = vector.broadcast %eq3A_162 : i32 to vector<256x128xi32>
      %eq3A_164 = arith.cmpi eq, %scan3A_76, %eq3A_163 : vector<256x128xi32>
      %broadcast_in_dim3A_165 = vector.broadcast %scan3A : f32 to vector<256x128xf32>
      %select_n3A_166 = arith.select %eq3A_164, %broadcast_in_dim3A_165, %get3A_161 : vector<256x128xi1>, vector<256x128xf32>
      %swap3A_167 = arith.constant 0 : index
      %swap3A_168 = arith.constant 896 : index
      %swap3A_169 = vector.load %arg10[%swap3A_167, %swap3A_168] : memref<256x8192xf32, #tpu.memory_space<vmem>>, vector<256x128xf32>
      tpu.vector_store %arg10[%swap3A_167, %swap3A_168], %select_n3A_166 {strides = array<i32>} : memref<256x8192xf32, #tpu.memory_space<vmem>>, vector<256x128xf32>,
      %min3A_170 = arith.minimumf %min3A_158, %select_n3A_166 : vector<256x128xf32>
      %get3A_171 = arith.constant 0 : index
      %get3A_172 = arith.constant 1024 : index
      %get3A_173 = vector.load %arg10[%get3A_171, %get3A_172] : memref<256x8192xf32, #tpu.memory_space<vmem>>, vector<256x128xf32>
      %eq3A_174 = arith.constant 8 : i32
      %eq3A_175 = vector.broadcast %eq3A_174 : i32 to vector<256x128xi32>
      %eq3A_176 = arith.cmpi eq, %scan3A_76, %eq3A_175 : vector<256x128xi32>
      %broadcast_in_dim3A_177 = vector.broadcast %scan3A : f32 to vector<256x128xf32>
      %select_n3A_178 = arith.select %eq3A_176, %broadcast_in_dim3A_177, %get3A_173 : vector<256x128xi1>, vector<256x128xf32>
      %swap3A_179 = arith.constant 0 : index
      %swap3A_180 = arith.constant 1024 : index
      %swap3A_181 = vector.load %arg10[%swap3A_179, %swap3A_180] : memref<256x8192xf32, #tpu.memory_space<vmem>>, vector<256x128xf32>
      tpu.vector_store %arg10[%swap3A_179, %swap3A_180], %select_n3A_178 {strides = array<i32>} : memref<256x8192xf32, #tpu.memory_space<vmem>>, vector<256x128xf32>,
      %min3A_182 = arith.minimumf %min3A_170, %select_n3A_178 : vector<256x128xf32>
      %get3A_183 = arith.constant 0 : index
      %get3A_184 = arith.constant 1152 : index
      %get3A_185 = vector.load %arg10[%get3A_183, %get3A_184] : memref<256x8192xf32, #tpu.memory_space<vmem>>, vector<256x128xf32>
      %eq3A_186 = arith.constant 9 : i32
      %eq3A_187 = vector.broadcast %eq3A_186 : i32 to vector<256x128xi32>
      %eq3A_188 = arith.cmpi eq, %scan3A_76, %eq3A_187 : vector<256x128xi32>
      %broadcast_in_dim3A_189 = vector.broadcast %scan3A : f32 to vector<256x128xf32>
      %select_n3A_190 = arith.select %eq3A_188, %broadcast_in_dim3A_189, %get3A_185 : vector<256x128xi1>, vector<256x128xf32>
      %swap3A_191 = arith.constant 0 : index
      %swap3A_192 = arith.constant 1152 : index
      %swap3A_193 = vector.load %arg10[%swap3A_191, %swap3A_192] : memref<256x8192xf32, #tpu.memory_space<vmem>>, vector<256x128xf32>
      tpu.vector_store %arg10[%swap3A_191, %swap3A_192], %select_n3A_190 {strides = array<i32>} : memref<256x8192xf32, #tpu.memory_space<vmem>>, vector<256x128xf32>,
      %min3A_194 = arith.minimumf %min3A_182, %select_n3A_190 : vector<256x128xf32>
      %get3A_195 = arith.constant 0 : index
      %get3A_196 = arith.constant 1280 : index
      %get3A_197 = vector.load %arg10[%get3A_195, %get3A_196] : memref<256x8192xf32, #tpu.memory_space<vmem>>, vector<256x128xf32>
      %eq3A_198 = arith.constant 10 : i32
      %eq3A_199 = vector.broadcast %eq3A_198 : i32 to vector<256x128xi32>
      %eq3A_200 = arith.cmpi eq, %scan3A_76, %eq3A_199 : vector<256x128xi32>
      %broadcast_in_dim3A_201 = vector.broadcast %scan3A : f32 to vector<256x128xf32>
      %select_n3A_202 = arith.select %eq3A_200, %broadcast_in_dim3A_201, %get3A_197 : vector<256x128xi1>, vector<256x128xf32>
      %swap3A_203 = arith.constant 0 : index
      %swap3A_204 = arith.constant 1280 : index
      %swap3A_205 = vector.load %arg10[%swap3A_203, %swap3A_204] : memref<256x8192xf32, #tpu.memory_space<vmem>>, vector<256x128xf32>
      tpu.vector_store %arg10[%swap3A_203, %swap3A_204], %select_n3A_202 {strides = array<i32>} : memref<256x8192xf32, #tpu.memory_space<vmem>>, vector<256x128xf32>,
      %min3A_206 = arith.minimumf %min3A_194, %select_n3A_202 : vector<256x128xf32>
      %get3A_207 = arith.constant 0 : index
      %get3A_208 = arith.constant 1408 : index
      %get3A_209 = vector.load %arg10[%get3A_207, %get3A_208] : memref<256x8192xf32, #tpu.memory_space<vmem>>, vector<256x128xf32>
      %eq3A_210 = arith.constant 11 : i32
      %eq3A_211 = vector.broadcast %eq3A_210 : i32 to vector<256x128xi32>
      %eq3A_212 = arith.cmpi eq, %scan3A_76, %eq3A_211 : vector<256x128xi32>
      %broadcast_in_dim3A_213 = vector.broadcast %scan3A : f32 to vector<256x128xf32>
      %select_n3A_214 = arith.select %eq3A_212, %broadcast_in_dim3A_213, %get3A_209 : vector<256x128xi1>, vector<256x128xf32>
      %swap3A_215 = arith.constant 0 : index
      %swap3A_216 = arith.constant 1408 : index
      %swap3A_217 = vector.load %arg10[%swap3A_215, %swap3A_216] : memref<256x8192xf32, #tpu.memory_space<vmem>>, vector<256x128xf32>
      tpu.vector_store %arg10[%swap3A_215, %swap3A_216], %select_n3A_214 {strides = array<i32>} : memref<256x8192xf32, #tpu.memory_space<vmem>>, vector<256x128xf32>,
      %min3A_218 = arith.minimumf %min3A_206, %select_n3A_214 : vector<256x128xf32>
      %get3A_219 = arith.constant 0 : index
      %get3A_220 = arith.constant 1536 : index
      %get3A_221 = vector.load %arg10[%get3A_219, %get3A_220] : memref<256x8192xf32, #tpu.memory_space<vmem>>, vector<256x128xf32>
      %eq3A_222 = arith.constant 12 : i32
      %eq3A_223 = vector.broadcast %eq3A_222 : i32 to vector<256x128xi32>
      %eq3A_224 = arith.cmpi eq, %scan3A_76, %eq3A_223 : vector<256x128xi32>
      %broadcast_in_dim3A_225 = vector.broadcast %scan3A : f32 to vector<256x128xf32>
      %select_n3A_226 = arith.select %eq3A_224, %broadcast_in_dim3A_225, %get3A_221 : vector<256x128xi1>, vector<256x128xf32>
      %swap3A_227 = arith.constant 0 : index
      %swap3A_228 = arith.constant 1536 : index
      %swap3A_229 = vector.load %arg10[%swap3A_227, %swap3A_228] : memref<256x8192xf32, #tpu.memory_space<vmem>>, vector<256x128xf32>
      tpu.vector_store %arg10[%swap3A_227, %swap3A_228], %select_n3A_226 {strides = array<i32>} : memref<256x8192xf32, #tpu.memory_space<vmem>>, vector<256x128xf32>,
      %min3A_230 = arith.minimumf %min3A_218, %select_n3A_226 : vector<256x128xf32>
      %get3A_231 = arith.constant 0 : index
      %get3A_232 = arith.constant 1664 : index
      %get3A_233 = vector.load %arg10[%get3A_231, %get3A_232] : memref<256x8192xf32, #tpu.memory_space<vmem>>, vector<256x128xf32>
      %eq3A_234 = arith.constant 13 : i32
      %eq3A_235 = vector.broadcast %eq3A_234 : i32 to vector<256x128xi32>
      %eq3A_236 = arith.cmpi eq, %scan3A_76, %eq3A_235 : vector<256x128xi32>
      %broadcast_in_dim3A_237 = vector.broadcast %scan3A : f32 to vector<256x128xf32>
      %select_n3A_238 = arith.select %eq3A_236, %broadcast_in_dim3A_237, %get3A_233 : vector<256x128xi1>, vector<256x128xf32>
      %swap3A_239 = arith.constant 0 : index
      %swap3A_240 = arith.constant 1664 : index
      %swap3A_241 = vector.load %arg10[%swap3A_239, %swap3A_240] : memref<256x8192xf32, #tpu.memory_space<vmem>>, vector<256x128xf32>
      tpu.vector_store %arg10[%swap3A_239, %swap3A_240], %select_n3A_238 {strides = array<i32>} : memref<256x8192xf32, #tpu.memory_space<vmem>>, vector<256x128xf32>,
      %min3A_242 = arith.minimumf %min3A_230, %select_n3A_238 : vector<256x128xf32>
      %get3A_243 = arith.constant 0 : index
      %get3A_244 = arith.constant 1792 : index
      %get3A_245 = vector.load %arg10[%get3A_243, %get3A_244] : memref<256x8192xf32, #tpu.memory_space<vmem>>, vector<256x128xf32>
      %eq3A_246 = arith.constant 14 : i32
      %eq3A_247 = vector.broadcast %eq3A_246 : i32 to vector<256x128xi32>
      %eq3A_248 = arith.cmpi eq, %scan3A_76, %eq3A_247 : vector<256x128xi32>
      %broadcast_in_dim3A_249 = vector.broadcast %scan3A : f32 to vector<256x128xf32>
      %select_n3A_250 = arith.select %eq3A_248, %broadcast_in_dim3A_249, %get3A_245 : vector<256x128xi1>, vector<256x128xf32>
      %swap3A_251 = arith.constant 0 : index
      %swap3A_252 = arith.constant 1792 : index
      %swap3A_253 = vector.load %arg10[%swap3A_251, %swap3A_252] : memref<256x8192xf32, #tpu.memory_space<vmem>>, vector<256x128xf32>
      tpu.vector_store %arg10[%swap3A_251, %swap3A_252], %select_n3A_250 {strides = array<i32>} : memref<256x8192xf32, #tpu.memory_space<vmem>>, vector<256x128xf32>,
      %min3A_254 = arith.minimumf %min3A_242, %select_n3A_250 : vector<256x128xf32>
      %get3A_255 = arith.constant 0 : index
      %get3A_256 = arith.constant 1920 : index
      %get3A_257 = vector.load %arg10[%get3A_255, %get3A_256] : memref<256x8192xf32, #tpu.memory_space<vmem>>, vector<256x128xf32>
      %eq3A_258 = arith.constant 15 : i32
      %eq3A_259 = vector.broadcast %eq3A_258 : i32 to vector<256x128xi32>
      %eq3A_260 = arith.cmpi eq, %scan3A_76, %eq3A_259 : vector<256x128xi32>
      %broadcast_in_dim3A_261 = vector.broadcast %scan3A : f32 to vector<256x128xf32>
      %select_n3A_262 = arith.select %eq3A_260, %broadcast_in_dim3A_261, %get3A_257 : vector<256x128xi1>, vector<256x128xf32>
      %swap3A_263 = arith.constant 0 : index
      %swap3A_264 = arith.constant 1920 : index
      %swap3A_265 = vector.load %arg10[%swap3A_263, %swap3A_264] : memref<256x8192xf32, #tpu.memory_space<vmem>>, vector<256x128xf32>
      tpu.vector_store %arg10[%swap3A_263, %swap3A_264], %select_n3A_262 {strides = array<i32>} : memref<256x8192xf32, #tpu.memory_space<vmem>>, vector<256x128xf32>,
      %min3A_266 = arith.minimumf %min3A_254, %select_n3A_262 : vector<256x128xf32>
      %get3A_267 = arith.constant 0 : index
      %get3A_268 = arith.constant 2048 : index
      %get3A_269 = vector.load %arg10[%get3A_267, %get3A_268] : memref<256x8192xf32, #tpu.memory_space<vmem>>, vector<256x128xf32>
      %eq3A_270 = arith.constant 16 : i32
      %eq3A_271 = vector.broadcast %eq3A_270 : i32 to vector<256x128xi32>
      %eq3A_272 = arith.cmpi eq, %scan3A_76, %eq3A_271 : vector<256x128xi32>
      %broadcast_in_dim3A_273 = vector.broadcast %scan3A : f32 to vector<256x128xf32>
      %select_n3A_274 = arith.select %eq3A_272, %broadcast_in_dim3A_273, %get3A_269 : vector<256x128xi1>, vector<256x128xf32>
      %swap3A_275 = arith.constant 0 : index
      %swap3A_276 = arith.constant 2048 : index
      %swap3A_277 = vector.load %arg10[%swap3A_275, %swap3A_276] : memref<256x8192xf32, #tpu.memory_space<vmem>>, vector<256x128xf32>
      tpu.vector_store %arg10[%swap3A_275, %swap3A_276], %select_n3A_274 {strides = array<i32>} : memref<256x8192xf32, #tpu.memory_space<vmem>>, vector<256x128xf32>,
      %min3A_278 = arith.minimumf %min3A_266, %select_n3A_274 : vector<256x128xf32>
      %get3A_279 = arith.constant 0 : index
      %get3A_280 = arith.constant 2176 : index
      %get3A_281 = vector.load %arg10[%get3A_279, %get3A_280] : memref<256x8192xf32, #tpu.memory_space<vmem>>, vector<256x128xf32>
      %eq3A_282 = arith.constant 17 : i32
      %eq3A_283 = vector.broadcast %eq3A_282 : i32 to vector<256x128xi32>
      %eq3A_284 = arith.cmpi eq, %scan3A_76, %eq3A_283 : vector<256x128xi32>
      %broadcast_in_dim3A_285 = vector.broadcast %scan3A : f32 to vector<256x128xf32>
      %select_n3A_286 = arith.select %eq3A_284, %broadcast_in_dim3A_285, %get3A_281 : vector<256x128xi1>, vector<256x128xf32>
      %swap3A_287 = arith.constant 0 : index
      %swap3A_288 = arith.constant 2176 : index
      %swap3A_289 = vector.load %arg10[%swap3A_287, %swap3A_288] : memref<256x8192xf32, #tpu.memory_space<vmem>>, vector<256x128xf32>
      tpu.vector_store %arg10[%swap3A_287, %swap3A_288], %select_n3A_286 {strides = array<i32>} : memref<256x8192xf32, #tpu.memory_space<vmem>>, vector<256x128xf32>,
      %min3A_290 = arith.minimumf %min3A_278, %select_n3A_286 : vector<256x128xf32>
      %get3A_291 = arith.constant 0 : index
      %get3A_292 = arith.constant 2304 : index
      %get3A_293 = vector.load %arg10[%get3A_291, %get3A_292] : memref<256x8192xf32, #tpu.memory_space<vmem>>, vector<256x128xf32>
      %eq3A_294 = arith.constant 18 : i32
      %eq3A_295 = vector.broadcast %eq3A_294 : i32 to vector<256x128xi32>
      %eq3A_296 = arith.cmpi eq, %scan3A_76, %eq3A_295 : vector<256x128xi32>
      %broadcast_in_dim3A_297 = vector.broadcast %scan3A : f32 to vector<256x128xf32>
      %select_n3A_298 = arith.select %eq3A_296, %broadcast_in_dim3A_297, %get3A_293 : vector<256x128xi1>, vector<256x128xf32>
      %swap3A_299 = arith.constant 0 : index
      %swap3A_300 = arith.constant 2304 : index
      %swap3A_301 = vector.load %arg10[%swap3A_299, %swap3A_300] : memref<256x8192xf32, #tpu.memory_space<vmem>>, vector<256x128xf32>
      tpu.vector_store %arg10[%swap3A_299, %swap3A_300], %select_n3A_298 {strides = array<i32>} : memref<256x8192xf32, #tpu.memory_space<vmem>>, vector<256x128xf32>,
      %min3A_302 = arith.minimumf %min3A_290, %select_n3A_298 : vector<256x128xf32>
      %get3A_303 = arith.constant 0 : index
      %get3A_304 = arith.constant 2432 : index
      %get3A_305 = vector.load %arg10[%get3A_303, %get3A_304] : memref<256x8192xf32, #tpu.memory_space<vmem>>, vector<256x128xf32>
      %eq3A_306 = arith.constant 19 : i32
      %eq3A_307 = vector.broadcast %eq3A_306 : i32 to vector<256x128xi32>
      %eq3A_308 = arith.cmpi eq, %scan3A_76, %eq3A_307 : vector<256x128xi32>
      %broadcast_in_dim3A_309 = vector.broadcast %scan3A : f32 to vector<256x128xf32>
      %select_n3A_310 = arith.select %eq3A_308, %broadcast_in_dim3A_309, %get3A_305 : vector<256x128xi1>, vector<256x128xf32>
      %swap3A_311 = arith.constant 0 : index
      %swap3A_312 = arith.constant 2432 : index
      %swap3A_313 = vector.load %arg10[%swap3A_311, %swap3A_312] : memref<256x8192xf32, #tpu.memory_space<vmem>>, vector<256x128xf32>
      tpu.vector_store %arg10[%swap3A_311, %swap3A_312], %select_n3A_310 {strides = array<i32>} : memref<256x8192xf32, #tpu.memory_space<vmem>>, vector<256x128xf32>,
      %min3A_314 = arith.minimumf %min3A_302, %select_n3A_310 : vector<256x128xf32>
      %get3A_315 = arith.constant 0 : index
      %get3A_316 = arith.constant 2560 : index
      %get3A_317 = vector.load %arg10[%get3A_315, %get3A_316] : memref<256x8192xf32, #tpu.memory_space<vmem>>, vector<256x128xf32>
      %eq3A_318 = arith.constant 20 : i32
      %eq3A_319 = vector.broadcast %eq3A_318 : i32 to vector<256x128xi32>
      %eq3A_320 = arith.cmpi eq, %scan3A_76, %eq3A_319 : vector<256x128xi32>
      %broadcast_in_dim3A_321 = vector.broadcast %scan3A : f32 to vector<256x128xf32>
      %select_n3A_322 = arith.select %eq3A_320, %broadcast_in_dim3A_321, %get3A_317 : vector<256x128xi1>, vector<256x128xf32>
      %swap3A_323 = arith.constant 0 : index
      %swap3A_324 = arith.constant 2560 : index
      %swap3A_325 = vector.load %arg10[%swap3A_323, %swap3A_324] : memref<256x8192xf32, #tpu.memory_space<vmem>>, vector<256x128xf32>
      tpu.vector_store %arg10[%swap3A_323, %swap3A_324], %select_n3A_322 {strides = array<i32>} : memref<256x8192xf32, #tpu.memory_space<vmem>>, vector<256x128xf32>,
      %min3A_326 = arith.minimumf %min3A_314, %select_n3A_322 : vector<256x128xf32>
      %get3A_327 = arith.constant 0 : index
      %get3A_328 = arith.constant 2688 : index
      %get3A_329 = vector.load %arg10[%get3A_327, %get3A_328] : memref<256x8192xf32, #tpu.memory_space<vmem>>, vector<256x128xf32>
      %eq3A_330 = arith.constant 21 : i32
      %eq3A_331 = vector.broadcast %eq3A_330 : i32 to vector<256x128xi32>
      %eq3A_332 = arith.cmpi eq, %scan3A_76, %eq3A_331 : vector<256x128xi32>
      %broadcast_in_dim3A_333 = vector.broadcast %scan3A : f32 to vector<256x128xf32>
      %select_n3A_334 = arith.select %eq3A_332, %broadcast_in_dim3A_333, %get3A_329 : vector<256x128xi1>, vector<256x128xf32>
      %swap3A_335 = arith.constant 0 : index
      %swap3A_336 = arith.constant 2688 : index
      %swap3A_337 = vector.load %arg10[%swap3A_335, %swap3A_336] : memref<256x8192xf32, #tpu.memory_space<vmem>>, vector<256x128xf32>
      tpu.vector_store %arg10[%swap3A_335, %swap3A_336], %select_n3A_334 {strides = array<i32>} : memref<256x8192xf32, #tpu.memory_space<vmem>>, vector<256x128xf32>,
      %min3A_338 = arith.minimumf %min3A_326, %select_n3A_334 : vector<256x128xf32>
      %get3A_339 = arith.constant 0 : index
      %get3A_340 = arith.constant 2816 : index
      %get3A_341 = vector.load %arg10[%get3A_339, %get3A_340] : memref<256x8192xf32, #tpu.memory_space<vmem>>, vector<256x128xf32>
      %eq3A_342 = arith.constant 22 : i32
      %eq3A_343 = vector.broadcast %eq3A_342 : i32 to vector<256x128xi32>
      %eq3A_344 = arith.cmpi eq, %scan3A_76, %eq3A_343 : vector<256x128xi32>
      %broadcast_in_dim3A_345 = vector.broadcast %scan3A : f32 to vector<256x128xf32>
      %select_n3A_346 = arith.select %eq3A_344, %broadcast_in_dim3A_345, %get3A_341 : vector<256x128xi1>, vector<256x128xf32>
      %swap3A_347 = arith.constant 0 : index
      %swap3A_348 = arith.constant 2816 : index
      %swap3A_349 = vector.load %arg10[%swap3A_347, %swap3A_348] : memref<256x8192xf32, #tpu.memory_space<vmem>>, vector<256x128xf32>
      tpu.vector_store %arg10[%swap3A_347, %swap3A_348], %select_n3A_346 {strides = array<i32>} : memref<256x8192xf32, #tpu.memory_space<vmem>>, vector<256x128xf32>,
      %min3A_350 = arith.minimumf %min3A_338, %select_n3A_346 : vector<256x128xf32>
      %get3A_351 = arith.constant 0 : index
      %get3A_352 = arith.constant 2944 : index
      %get3A_353 = vector.load %arg10[%get3A_351, %get3A_352] : memref<256x8192xf32, #tpu.memory_space<vmem>>, vector<256x128xf32>
      %eq3A_354 = arith.constant 23 : i32
      %eq3A_355 = vector.broadcast %eq3A_354 : i32 to vector<256x128xi32>
      %eq3A_356 = arith.cmpi eq, %scan3A_76, %eq3A_355 : vector<256x128xi32>
      %broadcast_in_dim3A_357 = vector.broadcast %scan3A : f32 to vector<256x128xf32>
      %select_n3A_358 = arith.select %eq3A_356, %broadcast_in_dim3A_357, %get3A_353 : vector<256x128xi1>, vector<256x128xf32>
      %swap3A_359 = arith.constant 0 : index
      %swap3A_360 = arith.constant 2944 : index
      %swap3A_361 = vector.load %arg10[%swap3A_359, %swap3A_360] : memref<256x8192xf32, #tpu.memory_space<vmem>>, vector<256x128xf32>
      tpu.vector_store %arg10[%swap3A_359, %swap3A_360], %select_n3A_358 {strides = array<i32>} : memref<256x8192xf32, #tpu.memory_space<vmem>>, vector<256x128xf32>,
      %min3A_362 = arith.minimumf %min3A_350, %select_n3A_358 : vector<256x128xf32>
      %get3A_363 = arith.constant 0 : index
      %get3A_364 = arith.constant 3072 : index
      %get3A_365 = vector.load %arg10[%get3A_363, %get3A_364] : memref<256x8192xf32, #tpu.memory_space<vmem>>, vector<256x128xf32>
      %eq3A_366 = arith.constant 24 : i32
      %eq3A_367 = vector.broadcast %eq3A_366 : i32 to vector<256x128xi32>
      %eq3A_368 = arith.cmpi eq, %scan3A_76, %eq3A_367 : vector<256x128xi32>
      %broadcast_in_dim3A_369 = vector.broadcast %scan3A : f32 to vector<256x128xf32>
      %select_n3A_370 = arith.select %eq3A_368, %broadcast_in_dim3A_369, %get3A_365 : vector<256x128xi1>, vector<256x128xf32>
      %swap3A_371 = arith.constant 0 : index
      %swap3A_372 = arith.constant 3072 : index
      %swap3A_373 = vector.load %arg10[%swap3A_371, %swap3A_372] : memref<256x8192xf32, #tpu.memory_space<vmem>>, vector<256x128xf32>
      tpu.vector_store %arg10[%swap3A_371, %swap3A_372], %select_n3A_370 {strides = array<i32>} : memref<256x8192xf32, #tpu.memory_space<vmem>>, vector<256x128xf32>,
      %min3A_374 = arith.minimumf %min3A_362, %select_n3A_370 : vector<256x128xf32>
      %get3A_375 = arith.constant 0 : index
      %get3A_376 = arith.constant 3200 : index
      %get3A_377 = vector.load %arg10[%get3A_375, %get3A_376] : memref<256x8192xf32, #tpu.memory_space<vmem>>, vector<256x128xf32>
      %eq3A_378 = arith.constant 25 : i32
      %eq3A_379 = vector.broadcast %eq3A_378 : i32 to vector<256x128xi32>
      %eq3A_380 = arith.cmpi eq, %scan3A_76, %eq3A_379 : vector<256x128xi32>
      %broadcast_in_dim3A_381 = vector.broadcast %scan3A : f32 to vector<256x128xf32>
      %select_n3A_382 = arith.select %eq3A_380, %broadcast_in_dim3A_381, %get3A_377 : vector<256x128xi1>, vector<256x128xf32>
      %swap3A_383 = arith.constant 0 : index
      %swap3A_384 = arith.constant 3200 : index
      %swap3A_385 = vector.load %arg10[%swap3A_383, %swap3A_384] : memref<256x8192xf32, #tpu.memory_space<vmem>>, vector<256x128xf32>
      tpu.vector_store %arg10[%swap3A_383, %swap3A_384], %select_n3A_382 {strides = array<i32>} : memref<256x8192xf32, #tpu.memory_space<vmem>>, vector<256x128xf32>,
      %min3A_386 = arith.minimumf %min3A_374, %select_n3A_382 : vector<256x128xf32>
      %get3A_387 = arith.constant 0 : index
      %get3A_388 = arith.constant 3328 : index
      %get3A_389 = vector.load %arg10[%get3A_387, %get3A_388] : memref<256x8192xf32, #tpu.memory_space<vmem>>, vector<256x128xf32>
      %eq3A_390 = arith.constant 26 : i32
      %eq3A_391 = vector.broadcast %eq3A_390 : i32 to vector<256x128xi32>
      %eq3A_392 = arith.cmpi eq, %scan3A_76, %eq3A_391 : vector<256x128xi32>
      %broadcast_in_dim3A_393 = vector.broadcast %scan3A : f32 to vector<256x128xf32>
      %select_n3A_394 = arith.select %eq3A_392, %broadcast_in_dim3A_393, %get3A_389 : vector<256x128xi1>, vector<256x128xf32>
      %swap3A_395 = arith.constant 0 : index
      %swap3A_396 = arith.constant 3328 : index
      %swap3A_397 = vector.load %arg10[%swap3A_395, %swap3A_396] : memref<256x8192xf32, #tpu.memory_space<vmem>>, vector<256x128xf32>
      tpu.vector_store %arg10[%swap3A_395, %swap3A_396], %select_n3A_394 {strides = array<i32>} : memref<256x8192xf32, #tpu.memory_space<vmem>>, vector<256x128xf32>,
      %min3A_398 = arith.minimumf %min3A_386, %select_n3A_394 : vector<256x128xf32>
      %get3A_399 = arith.constant 0 : index
      %get3A_400 = arith.constant 3456 : index
      %get3A_401 = vector.load %arg10[%get3A_399, %get3A_400] : memref<256x8192xf32, #tpu.memory_space<vmem>>, vector<256x128xf32>
      %eq3A_402 = arith.constant 27 : i32
      %eq3A_403 = vector.broadcast %eq3A_402 : i32 to vector<256x128xi32>
      %eq3A_404 = arith.cmpi eq, %scan3A_76, %eq3A_403 : vector<256x128xi32>
      %broadcast_in_dim3A_405 = vector.broadcast %scan3A : f32 to vector<256x128xf32>
      %select_n3A_406 = arith.select %eq3A_404, %broadcast_in_dim3A_405, %get3A_401 : vector<256x128xi1>, vector<256x128xf32>
      %swap3A_407 = arith.constant 0 : index
      %swap3A_408 = arith.constant 3456 : index
      %swap3A_409 = vector.load %arg10[%swap3A_407, %swap3A_408] : memref<256x8192xf32, #tpu.memory_space<vmem>>, vector<256x128xf32>
      tpu.vector_store %arg10[%swap3A_407, %swap3A_408], %select_n3A_406 {strides = array<i32>} : memref<256x8192xf32, #tpu.memory_space<vmem>>, vector<256x128xf32>,
      %min3A_410 = arith.minimumf %min3A_398, %select_n3A_406 : vector<256x128xf32>
      %get3A_411 = arith.constant 0 : index
      %get3A_412 = arith.constant 3584 : index
      %get3A_413 = vector.load %arg10[%get3A_411, %get3A_412] : memref<256x8192xf32, #tpu.memory_space<vmem>>, vector<256x128xf32>
      %eq3A_414 = arith.constant 28 : i32
      %eq3A_415 = vector.broadcast %eq3A_414 : i32 to vector<256x128xi32>
      %eq3A_416 = arith.cmpi eq, %scan3A_76, %eq3A_415 : vector<256x128xi32>
      %broadcast_in_dim3A_417 = vector.broadcast %scan3A : f32 to vector<256x128xf32>
      %select_n3A_418 = arith.select %eq3A_416, %broadcast_in_dim3A_417, %get3A_413 : vector<256x128xi1>, vector<256x128xf32>
      %swap3A_419 = arith.constant 0 : index
      %swap3A_420 = arith.constant 3584 : index
      %swap3A_421 = vector.load %arg10[%swap3A_419, %swap3A_420] : memref<256x8192xf32, #tpu.memory_space<vmem>>, vector<256x128xf32>
      tpu.vector_store %arg10[%swap3A_419, %swap3A_420], %select_n3A_418 {strides = array<i32>} : memref<256x8192xf32, #tpu.memory_space<vmem>>, vector<256x128xf32>,
      %min3A_422 = arith.minimumf %min3A_410, %select_n3A_418 : vector<256x128xf32>
      %get3A_423 = arith.constant 0 : index
      %get3A_424 = arith.constant 3712 : index
      %get3A_425 = vector.load %arg10[%get3A_423, %get3A_424] : memref<256x8192xf32, #tpu.memory_space<vmem>>, vector<256x128xf32>
      %eq3A_426 = arith.constant 29 : i32
      %eq3A_427 = vector.broadcast %eq3A_426 : i32 to vector<256x128xi32>
      %eq3A_428 = arith.cmpi eq, %scan3A_76, %eq3A_427 : vector<256x128xi32>
      %broadcast_in_dim3A_429 = vector.broadcast %scan3A : f32 to vector<256x128xf32>
      %select_n3A_430 = arith.select %eq3A_428, %broadcast_in_dim3A_429, %get3A_425 : vector<256x128xi1>, vector<256x128xf32>
      %swap3A_431 = arith.constant 0 : index
      %swap3A_432 = arith.constant 3712 : index
      %swap3A_433 = vector.load %arg10[%swap3A_431, %swap3A_432] : memref<256x8192xf32, #tpu.memory_space<vmem>>, vector<256x128xf32>
      tpu.vector_store %arg10[%swap3A_431, %swap3A_432], %select_n3A_430 {strides = array<i32>} : memref<256x8192xf32, #tpu.memory_space<vmem>>, vector<256x128xf32>,
      %min3A_434 = arith.minimumf %min3A_422, %select_n3A_430 : vector<256x128xf32>
      %get3A_435 = arith.constant 0 : index
      %get3A_436 = arith.constant 3840 : index
      %get3A_437 = vector.load %arg10[%get3A_435, %get3A_436] : memref<256x8192xf32, #tpu.memory_space<vmem>>, vector<256x128xf32>
      %eq3A_438 = arith.constant 30 : i32
      %eq3A_439 = vector.broadcast %eq3A_438 : i32 to vector<256x128xi32>
      %eq3A_440 = arith.cmpi eq, %scan3A_76, %eq3A_439 : vector<256x128xi32>
      %broadcast_in_dim3A_441 = vector.broadcast %scan3A : f32 to vector<256x128xf32>
      %select_n3A_442 = arith.select %eq3A_440, %broadcast_in_dim3A_441, %get3A_437 : vector<256x128xi1>, vector<256x128xf32>
      %swap3A_443 = arith.constant 0 : index
      %swap3A_444 = arith.constant 3840 : index
      %swap3A_445 = vector.load %arg10[%swap3A_443, %swap3A_444] : memref<256x8192xf32, #tpu.memory_space<vmem>>, vector<256x128xf32>
      tpu.vector_store %arg10[%swap3A_443, %swap3A_444], %select_n3A_442 {strides = array<i32>} : memref<256x8192xf32, #tpu.memory_space<vmem>>, vector<256x128xf32>,
      %min3A_446 = arith.minimumf %min3A_434, %select_n3A_442 : vector<256x128xf32>
      %get3A_447 = arith.constant 0 : index
      %get3A_448 = arith.constant 3968 : index
      %get3A_449 = vector.load %arg10[%get3A_447, %get3A_448] : memref<256x8192xf32, #tpu.memory_space<vmem>>, vector<256x128xf32>
      %eq3A_450 = arith.constant 31 : i32
      %eq3A_451 = vector.broadcast %eq3A_450 : i32 to vector<256x128xi32>
      %eq3A_452 = arith.cmpi eq, %scan3A_76, %eq3A_451 : vector<256x128xi32>
      %broadcast_in_dim3A_453 = vector.broadcast %scan3A : f32 to vector<256x128xf32>
      %select_n3A_454 = arith.select %eq3A_452, %broadcast_in_dim3A_453, %get3A_449 : vector<256x128xi1>, vector<256x128xf32>
      %swap3A_455 = arith.constant 0 : index
      %swap3A_456 = arith.constant 3968 : index
      %swap3A_457 = vector.load %arg10[%swap3A_455, %swap3A_456] : memref<256x8192xf32, #tpu.memory_space<vmem>>, vector<256x128xf32>
      tpu.vector_store %arg10[%swap3A_455, %swap3A_456], %select_n3A_454 {strides = array<i32>} : memref<256x8192xf32, #tpu.memory_space<vmem>>, vector<256x128xf32>,
      %min3A_458 = arith.minimumf %min3A_446, %select_n3A_454 : vector<256x128xf32>
      %get3A_459 = arith.constant 0 : index
      %get3A_460 = arith.constant 4096 : index
      %get3A_461 = vector.load %arg10[%get3A_459, %get3A_460] : memref<256x8192xf32, #tpu.memory_space<vmem>>, vector<256x128xf32>
      %eq3A_462 = arith.constant 32 : i32
      %eq3A_463 = vector.broadcast %eq3A_462 : i32 to vector<256x128xi32>
      %eq3A_464 = arith.cmpi eq, %scan3A_76, %eq3A_463 : vector<256x128xi32>
      %broadcast_in_dim3A_465 = vector.broadcast %scan3A : f32 to vector<256x128xf32>
      %select_n3A_466 = arith.select %eq3A_464, %broadcast_in_dim3A_465, %get3A_461 : vector<256x128xi1>, vector<256x128xf32>
      %swap3A_467 = arith.constant 0 : index
      %swap3A_468 = arith.constant 4096 : index
      %swap3A_469 = vector.load %arg10[%swap3A_467, %swap3A_468] : memref<256x8192xf32, #tpu.memory_space<vmem>>, vector<256x128xf32>
      tpu.vector_store %arg10[%swap3A_467, %swap3A_468], %select_n3A_466 {strides = array<i32>} : memref<256x8192xf32, #tpu.memory_space<vmem>>, vector<256x128xf32>,
      %min3A_470 = arith.minimumf %min3A_458, %select_n3A_466 : vector<256x128xf32>
      %get3A_471 = arith.constant 0 : index
      %get3A_472 = arith.constant 4224 : index
      %get3A_473 = vector.load %arg10[%get3A_471, %get3A_472] : memref<256x8192xf32, #tpu.memory_space<vmem>>, vector<256x128xf32>
      %eq3A_474 = arith.constant 33 : i32
      %eq3A_475 = vector.broadcast %eq3A_474 : i32 to vector<256x128xi32>
      %eq3A_476 = arith.cmpi eq, %scan3A_76, %eq3A_475 : vector<256x128xi32>
      %broadcast_in_dim3A_477 = vector.broadcast %scan3A : f32 to vector<256x128xf32>
      %select_n3A_478 = arith.select %eq3A_476, %broadcast_in_dim3A_477, %get3A_473 : vector<256x128xi1>, vector<256x128xf32>
      %swap3A_479 = arith.constant 0 : index
      %swap3A_480 = arith.constant 4224 : index
      %swap3A_481 = vector.load %arg10[%swap3A_479, %swap3A_480] : memref<256x8192xf32, #tpu.memory_space<vmem>>, vector<256x128xf32>
      tpu.vector_store %arg10[%swap3A_479, %swap3A_480], %select_n3A_478 {strides = array<i32>} : memref<256x8192xf32, #tpu.memory_space<vmem>>, vector<256x128xf32>,
      %min3A_482 = arith.minimumf %min3A_470, %select_n3A_478 : vector<256x128xf32>
      %get3A_483 = arith.constant 0 : index
      %get3A_484 = arith.constant 4352 : index
      %get3A_485 = vector.load %arg10[%get3A_483, %get3A_484] : memref<256x8192xf32, #tpu.memory_space<vmem>>, vector<256x128xf32>
      %eq3A_486 = arith.constant 34 : i32
      %eq3A_487 = vector.broadcast %eq3A_486 : i32 to vector<256x128xi32>
      %eq3A_488 = arith.cmpi eq, %scan3A_76, %eq3A_487 : vector<256x128xi32>
      %broadcast_in_dim3A_489 = vector.broadcast %scan3A : f32 to vector<256x128xf32>
      %select_n3A_490 = arith.select %eq3A_488, %broadcast_in_dim3A_489, %get3A_485 : vector<256x128xi1>, vector<256x128xf32>
      %swap3A_491 = arith.constant 0 : index
      %swap3A_492 = arith.constant 4352 : index
      %swap3A_493 = vector.load %arg10[%swap3A_491, %swap3A_492] : memref<256x8192xf32, #tpu.memory_space<vmem>>, vector<256x128xf32>
      tpu.vector_store %arg10[%swap3A_491, %swap3A_492], %select_n3A_490 {strides = array<i32>} : memref<256x8192xf32, #tpu.memory_space<vmem>>, vector<256x128xf32>,
      %min3A_494 = arith.minimumf %min3A_482, %select_n3A_490 : vector<256x128xf32>
      %get3A_495 = arith.constant 0 : index
      %get3A_496 = arith.constant 4480 : index
      %get3A_497 = vector.load %arg10[%get3A_495, %get3A_496] : memref<256x8192xf32, #tpu.memory_space<vmem>>, vector<256x128xf32>
      %eq3A_498 = arith.constant 35 : i32
      %eq3A_499 = vector.broadcast %eq3A_498 : i32 to vector<256x128xi32>
      %eq3A_500 = arith.cmpi eq, %scan3A_76, %eq3A_499 : vector<256x128xi32>
      %broadcast_in_dim3A_501 = vector.broadcast %scan3A : f32 to vector<256x128xf32>
      %select_n3A_502 = arith.select %eq3A_500, %broadcast_in_dim3A_501, %get3A_497 : vector<256x128xi1>, vector<256x128xf32>
      %swap3A_503 = arith.constant 0 : index
      %swap3A_504 = arith.constant 4480 : index
      %swap3A_505 = vector.load %arg10[%swap3A_503, %swap3A_504] : memref<256x8192xf32, #tpu.memory_space<vmem>>, vector<256x128xf32>
      tpu.vector_store %arg10[%swap3A_503, %swap3A_504], %select_n3A_502 {strides = array<i32>} : memref<256x8192xf32, #tpu.memory_space<vmem>>, vector<256x128xf32>,
      %min3A_506 = arith.minimumf %min3A_494, %select_n3A_502 : vector<256x128xf32>
      %get3A_507 = arith.constant 0 : index
      %get3A_508 = arith.constant 4608 : index
      %get3A_509 = vector.load %arg10[%get3A_507, %get3A_508] : memref<256x8192xf32, #tpu.memory_space<vmem>>, vector<256x128xf32>
      %eq3A_510 = arith.constant 36 : i32
      %eq3A_511 = vector.broadcast %eq3A_510 : i32 to vector<256x128xi32>
      %eq3A_512 = arith.cmpi eq, %scan3A_76, %eq3A_511 : vector<256x128xi32>
      %broadcast_in_dim3A_513 = vector.broadcast %scan3A : f32 to vector<256x128xf32>
      %select_n3A_514 = arith.select %eq3A_512, %broadcast_in_dim3A_513, %get3A_509 : vector<256x128xi1>, vector<256x128xf32>
      %swap3A_515 = arith.constant 0 : index
      %swap3A_516 = arith.constant 4608 : index
      %swap3A_517 = vector.load %arg10[%swap3A_515, %swap3A_516] : memref<256x8192xf32, #tpu.memory_space<vmem>>, vector<256x128xf32>
      tpu.vector_store %arg10[%swap3A_515, %swap3A_516], %select_n3A_514 {strides = array<i32>} : memref<256x8192xf32, #tpu.memory_space<vmem>>, vector<256x128xf32>,
      %min3A_518 = arith.minimumf %min3A_506, %select_n3A_514 : vector<256x128xf32>
      %get3A_519 = arith.constant 0 : index
      %get3A_520 = arith.constant 4736 : index
      %get3A_521 = vector.load %arg10[%get3A_519, %get3A_520] : memref<256x8192xf32, #tpu.memory_space<vmem>>, vector<256x128xf32>
      %eq3A_522 = arith.constant 37 : i32
      %eq3A_523 = vector.broadcast %eq3A_522 : i32 to vector<256x128xi32>
      %eq3A_524 = arith.cmpi eq, %scan3A_76, %eq3A_523 : vector<256x128xi32>
      %broadcast_in_dim3A_525 = vector.broadcast %scan3A : f32 to vector<256x128xf32>
      %select_n3A_526 = arith.select %eq3A_524, %broadcast_in_dim3A_525, %get3A_521 : vector<256x128xi1>, vector<256x128xf32>
      %swap3A_527 = arith.constant 0 : index
      %swap3A_528 = arith.constant 4736 : index
      %swap3A_529 = vector.load %arg10[%swap3A_527, %swap3A_528] : memref<256x8192xf32, #tpu.memory_space<vmem>>, vector<256x128xf32>
      tpu.vector_store %arg10[%swap3A_527, %swap3A_528], %select_n3A_526 {strides = array<i32>} : memref<256x8192xf32, #tpu.memory_space<vmem>>, vector<256x128xf32>,
      %min3A_530 = arith.minimumf %min3A_518, %select_n3A_526 : vector<256x128xf32>
      %get3A_531 = arith.constant 0 : index
      %get3A_532 = arith.constant 4864 : index
      %get3A_533 = vector.load %arg10[%get3A_531, %get3A_532] : memref<256x8192xf32, #tpu.memory_space<vmem>>, vector<256x128xf32>
      %eq3A_534 = arith.constant 38 : i32
      %eq3A_535 = vector.broadcast %eq3A_534 : i32 to vector<256x128xi32>
      %eq3A_536 = arith.cmpi eq, %scan3A_76, %eq3A_535 : vector<256x128xi32>
      %broadcast_in_dim3A_537 = vector.broadcast %scan3A : f32 to vector<256x128xf32>
      %select_n3A_538 = arith.select %eq3A_536, %broadcast_in_dim3A_537, %get3A_533 : vector<256x128xi1>, vector<256x128xf32>
      %swap3A_539 = arith.constant 0 : index
      %swap3A_540 = arith.constant 4864 : index
      %swap3A_541 = vector.load %arg10[%swap3A_539, %swap3A_540] : memref<256x8192xf32, #tpu.memory_space<vmem>>, vector<256x128xf32>
      tpu.vector_store %arg10[%swap3A_539, %swap3A_540], %select_n3A_538 {strides = array<i32>} : memref<256x8192xf32, #tpu.memory_space<vmem>>, vector<256x128xf32>,
      %min3A_542 = arith.minimumf %min3A_530, %select_n3A_538 : vector<256x128xf32>
      %get3A_543 = arith.constant 0 : index
      %get3A_544 = arith.constant 4992 : index
      %get3A_545 = vector.load %arg10[%get3A_543, %get3A_544] : memref<256x8192xf32, #tpu.memory_space<vmem>>, vector<256x128xf32>
      %eq3A_546 = arith.constant 39 : i32
      %eq3A_547 = vector.broadcast %eq3A_546 : i32 to vector<256x128xi32>
      %eq3A_548 = arith.cmpi eq, %scan3A_76, %eq3A_547 : vector<256x128xi32>
      %broadcast_in_dim3A_549 = vector.broadcast %scan3A : f32 to vector<256x128xf32>
      %select_n3A_550 = arith.select %eq3A_548, %broadcast_in_dim3A_549, %get3A_545 : vector<256x128xi1>, vector<256x128xf32>
      %swap3A_551 = arith.constant 0 : index
      %swap3A_552 = arith.constant 4992 : index
      %swap3A_553 = vector.load %arg10[%swap3A_551, %swap3A_552] : memref<256x8192xf32, #tpu.memory_space<vmem>>, vector<256x128xf32>
      tpu.vector_store %arg10[%swap3A_551, %swap3A_552], %select_n3A_550 {strides = array<i32>} : memref<256x8192xf32, #tpu.memory_space<vmem>>, vector<256x128xf32>,
      %min3A_554 = arith.minimumf %min3A_542, %select_n3A_550 : vector<256x128xf32>
      %get3A_555 = arith.constant 0 : index
      %get3A_556 = arith.constant 5120 : index
      %get3A_557 = vector.load %arg10[%get3A_555, %get3A_556] : memref<256x8192xf32, #tpu.memory_space<vmem>>, vector<256x128xf32>
      %eq3A_558 = arith.constant 40 : i32
      %eq3A_559 = vector.broadcast %eq3A_558 : i32 to vector<256x128xi32>
      %eq3A_560 = arith.cmpi eq, %scan3A_76, %eq3A_559 : vector<256x128xi32>
      %broadcast_in_dim3A_561 = vector.broadcast %scan3A : f32 to vector<256x128xf32>
      %select_n3A_562 = arith.select %eq3A_560, %broadcast_in_dim3A_561, %get3A_557 : vector<256x128xi1>, vector<256x128xf32>
      %swap3A_563 = arith.constant 0 : index
      %swap3A_564 = arith.constant 5120 : index
      %swap3A_565 = vector.load %arg10[%swap3A_563, %swap3A_564] : memref<256x8192xf32, #tpu.memory_space<vmem>>, vector<256x128xf32>
      tpu.vector_store %arg10[%swap3A_563, %swap3A_564], %select_n3A_562 {strides = array<i32>} : memref<256x8192xf32, #tpu.memory_space<vmem>>, vector<256x128xf32>,
      %min3A_566 = arith.minimumf %min3A_554, %select_n3A_562 : vector<256x128xf32>
      %get3A_567 = arith.constant 0 : index
      %get3A_568 = arith.constant 5248 : index
      %get3A_569 = vector.load %arg10[%get3A_567, %get3A_568] : memref<256x8192xf32, #tpu.memory_space<vmem>>, vector<256x128xf32>
      %eq3A_570 = arith.constant 41 : i32
      %eq3A_571 = vector.broadcast %eq3A_570 : i32 to vector<256x128xi32>
      %eq3A_572 = arith.cmpi eq, %scan3A_76, %eq3A_571 : vector<256x128xi32>
      %broadcast_in_dim3A_573 = vector.broadcast %scan3A : f32 to vector<256x128xf32>
      %select_n3A_574 = arith.select %eq3A_572, %broadcast_in_dim3A_573, %get3A_569 : vector<256x128xi1>, vector<256x128xf32>
      %swap3A_575 = arith.constant 0 : index
      %swap3A_576 = arith.constant 5248 : index
      %swap3A_577 = vector.load %arg10[%swap3A_575, %swap3A_576] : memref<256x8192xf32, #tpu.memory_space<vmem>>, vector<256x128xf32>
      tpu.vector_store %arg10[%swap3A_575, %swap3A_576], %select_n3A_574 {strides = array<i32>} : memref<256x8192xf32, #tpu.memory_space<vmem>>, vector<256x128xf32>,
      %min3A_578 = arith.minimumf %min3A_566, %select_n3A_574 : vector<256x128xf32>
      %get3A_579 = arith.constant 0 : index
      %get3A_580 = arith.constant 5376 : index
      %get3A_581 = vector.load %arg10[%get3A_579, %get3A_580] : memref<256x8192xf32, #tpu.memory_space<vmem>>, vector<256x128xf32>
      %eq3A_582 = arith.constant 42 : i32
      %eq3A_583 = vector.broadcast %eq3A_582 : i32 to vector<256x128xi32>
      %eq3A_584 = arith.cmpi eq, %scan3A_76, %eq3A_583 : vector<256x128xi32>
      %broadcast_in_dim3A_585 = vector.broadcast %scan3A : f32 to vector<256x128xf32>
      %select_n3A_586 = arith.select %eq3A_584, %broadcast_in_dim3A_585, %get3A_581 : vector<256x128xi1>, vector<256x128xf32>
      %swap3A_587 = arith.constant 0 : index
      %swap3A_588 = arith.constant 5376 : index
      %swap3A_589 = vector.load %arg10[%swap3A_587, %swap3A_588] : memref<256x8192xf32, #tpu.memory_space<vmem>>, vector<256x128xf32>
      tpu.vector_store %arg10[%swap3A_587, %swap3A_588], %select_n3A_586 {strides = array<i32>} : memref<256x8192xf32, #tpu.memory_space<vmem>>, vector<256x128xf32>,
      %min3A_590 = arith.minimumf %min3A_578, %select_n3A_586 : vector<256x128xf32>
      %get3A_591 = arith.constant 0 : index
      %get3A_592 = arith.constant 5504 : index
      %get3A_593 = vector.load %arg10[%get3A_591, %get3A_592] : memref<256x8192xf32, #tpu.memory_space<vmem>>, vector<256x128xf32>
      %eq3A_594 = arith.constant 43 : i32
      %eq3A_595 = vector.broadcast %eq3A_594 : i32 to vector<256x128xi32>
      %eq3A_596 = arith.cmpi eq, %scan3A_76, %eq3A_595 : vector<256x128xi32>
      %broadcast_in_dim3A_597 = vector.broadcast %scan3A : f32 to vector<256x128xf32>
      %select_n3A_598 = arith.select %eq3A_596, %broadcast_in_dim3A_597, %get3A_593 : vector<256x128xi1>, vector<256x128xf32>
      %swap3A_599 = arith.constant 0 : index
      %swap3A_600 = arith.constant 5504 : index
      %swap3A_601 = vector.load %arg10[%swap3A_599, %swap3A_600] : memref<256x8192xf32, #tpu.memory_space<vmem>>, vector<256x128xf32>
      tpu.vector_store %arg10[%swap3A_599, %swap3A_600], %select_n3A_598 {strides = array<i32>} : memref<256x8192xf32, #tpu.memory_space<vmem>>, vector<256x128xf32>,
      %min3A_602 = arith.minimumf %min3A_590, %select_n3A_598 : vector<256x128xf32>
      %get3A_603 = arith.constant 0 : index
      %get3A_604 = arith.constant 5632 : index
      %get3A_605 = vector.load %arg10[%get3A_603, %get3A_604] : memref<256x8192xf32, #tpu.memory_space<vmem>>, vector<256x128xf32>
      %eq3A_606 = arith.constant 44 : i32
      %eq3A_607 = vector.broadcast %eq3A_606 : i32 to vector<256x128xi32>
      %eq3A_608 = arith.cmpi eq, %scan3A_76, %eq3A_607 : vector<256x128xi32>
      %broadcast_in_dim3A_609 = vector.broadcast %scan3A : f32 to vector<256x128xf32>
      %select_n3A_610 = arith.select %eq3A_608, %broadcast_in_dim3A_609, %get3A_605 : vector<256x128xi1>, vector<256x128xf32>
      %swap3A_611 = arith.constant 0 : index
      %swap3A_612 = arith.constant 5632 : index
      %swap3A_613 = vector.load %arg10[%swap3A_611, %swap3A_612] : memref<256x8192xf32, #tpu.memory_space<vmem>>, vector<256x128xf32>
      tpu.vector_store %arg10[%swap3A_611, %swap3A_612], %select_n3A_610 {strides = array<i32>} : memref<256x8192xf32, #tpu.memory_space<vmem>>, vector<256x128xf32>,
      %min3A_614 = arith.minimumf %min3A_602, %select_n3A_610 : vector<256x128xf32>
      %get3A_615 = arith.constant 0 : index
      %get3A_616 = arith.constant 5760 : index
      %get3A_617 = vector.load %arg10[%get3A_615, %get3A_616] : memref<256x8192xf32, #tpu.memory_space<vmem>>, vector<256x128xf32>
      %eq3A_618 = arith.constant 45 : i32
      %eq3A_619 = vector.broadcast %eq3A_618 : i32 to vector<256x128xi32>
      %eq3A_620 = arith.cmpi eq, %scan3A_76, %eq3A_619 : vector<256x128xi32>
      %broadcast_in_dim3A_621 = vector.broadcast %scan3A : f32 to vector<256x128xf32>
      %select_n3A_622 = arith.select %eq3A_620, %broadcast_in_dim3A_621, %get3A_617 : vector<256x128xi1>, vector<256x128xf32>
      %swap3A_623 = arith.constant 0 : index
      %swap3A_624 = arith.constant 5760 : index
      %swap3A_625 = vector.load %arg10[%swap3A_623, %swap3A_624] : memref<256x8192xf32, #tpu.memory_space<vmem>>, vector<256x128xf32>
      tpu.vector_store %arg10[%swap3A_623, %swap3A_624], %select_n3A_622 {strides = array<i32>} : memref<256x8192xf32, #tpu.memory_space<vmem>>, vector<256x128xf32>,
      %min3A_626 = arith.minimumf %min3A_614, %select_n3A_622 : vector<256x128xf32>
      %get3A_627 = arith.constant 0 : index
      %get3A_628 = arith.constant 5888 : index
      %get3A_629 = vector.load %arg10[%get3A_627, %get3A_628] : memref<256x8192xf32, #tpu.memory_space<vmem>>, vector<256x128xf32>
      %eq3A_630 = arith.constant 46 : i32
      %eq3A_631 = vector.broadcast %eq3A_630 : i32 to vector<256x128xi32>
      %eq3A_632 = arith.cmpi eq, %scan3A_76, %eq3A_631 : vector<256x128xi32>
      %broadcast_in_dim3A_633 = vector.broadcast %scan3A : f32 to vector<256x128xf32>
      %select_n3A_634 = arith.select %eq3A_632, %broadcast_in_dim3A_633, %get3A_629 : vector<256x128xi1>, vector<256x128xf32>
      %swap3A_635 = arith.constant 0 : index
      %swap3A_636 = arith.constant 5888 : index
      %swap3A_637 = vector.load %arg10[%swap3A_635, %swap3A_636] : memref<256x8192xf32, #tpu.memory_space<vmem>>, vector<256x128xf32>
      tpu.vector_store %arg10[%swap3A_635, %swap3A_636], %select_n3A_634 {strides = array<i32>} : memref<256x8192xf32, #tpu.memory_space<vmem>>, vector<256x128xf32>,
      %min3A_638 = arith.minimumf %min3A_626, %select_n3A_634 : vector<256x128xf32>
      %get3A_639 = arith.constant 0 : index
      %get3A_640 = arith.constant 6016 : index
      %get3A_641 = vector.load %arg10[%get3A_639, %get3A_640] : memref<256x8192xf32, #tpu.memory_space<vmem>>, vector<256x128xf32>
      %eq3A_642 = arith.constant 47 : i32
      %eq3A_643 = vector.broadcast %eq3A_642 : i32 to vector<256x128xi32>
      %eq3A_644 = arith.cmpi eq, %scan3A_76, %eq3A_643 : vector<256x128xi32>
      %broadcast_in_dim3A_645 = vector.broadcast %scan3A : f32 to vector<256x128xf32>
      %select_n3A_646 = arith.select %eq3A_644, %broadcast_in_dim3A_645, %get3A_641 : vector<256x128xi1>, vector<256x128xf32>
      %swap3A_647 = arith.constant 0 : index
      %swap3A_648 = arith.constant 6016 : index
      %swap3A_649 = vector.load %arg10[%swap3A_647, %swap3A_648] : memref<256x8192xf32, #tpu.memory_space<vmem>>, vector<256x128xf32>
      tpu.vector_store %arg10[%swap3A_647, %swap3A_648], %select_n3A_646 {strides = array<i32>} : memref<256x8192xf32, #tpu.memory_space<vmem>>, vector<256x128xf32>,
      %min3A_650 = arith.minimumf %min3A_638, %select_n3A_646 : vector<256x128xf32>
      %get3A_651 = arith.constant 0 : index
      %get3A_652 = arith.constant 6144 : index
      %get3A_653 = vector.load %arg10[%get3A_651, %get3A_652] : memref<256x8192xf32, #tpu.memory_space<vmem>>, vector<256x128xf32>
      %eq3A_654 = arith.constant 48 : i32
      %eq3A_655 = vector.broadcast %eq3A_654 : i32 to vector<256x128xi32>
      %eq3A_656 = arith.cmpi eq, %scan3A_76, %eq3A_655 : vector<256x128xi32>
      %broadcast_in_dim3A_657 = vector.broadcast %scan3A : f32 to vector<256x128xf32>
      %select_n3A_658 = arith.select %eq3A_656, %broadcast_in_dim3A_657, %get3A_653 : vector<256x128xi1>, vector<256x128xf32>
      %swap3A_659 = arith.constant 0 : index
      %swap3A_660 = arith.constant 6144 : index
      %swap3A_661 = vector.load %arg10[%swap3A_659, %swap3A_660] : memref<256x8192xf32, #tpu.memory_space<vmem>>, vector<256x128xf32>
      tpu.vector_store %arg10[%swap3A_659, %swap3A_660], %select_n3A_658 {strides = array<i32>} : memref<256x8192xf32, #tpu.memory_space<vmem>>, vector<256x128xf32>,
      %min3A_662 = arith.minimumf %min3A_650, %select_n3A_658 : vector<256x128xf32>
      %get3A_663 = arith.constant 0 : index
      %get3A_664 = arith.constant 6272 : index
      %get3A_665 = vector.load %arg10[%get3A_663, %get3A_664] : memref<256x8192xf32, #tpu.memory_space<vmem>>, vector<256x128xf32>
      %eq3A_666 = arith.constant 49 : i32
      %eq3A_667 = vector.broadcast %eq3A_666 : i32 to vector<256x128xi32>
      %eq3A_668 = arith.cmpi eq, %scan3A_76, %eq3A_667 : vector<256x128xi32>
      %broadcast_in_dim3A_669 = vector.broadcast %scan3A : f32 to vector<256x128xf32>
      %select_n3A_670 = arith.select %eq3A_668, %broadcast_in_dim3A_669, %get3A_665 : vector<256x128xi1>, vector<256x128xf32>
      %swap3A_671 = arith.constant 0 : index
      %swap3A_672 = arith.constant 6272 : index
      %swap3A_673 = vector.load %arg10[%swap3A_671, %swap3A_672] : memref<256x8192xf32, #tpu.memory_space<vmem>>, vector<256x128xf32>
      tpu.vector_store %arg10[%swap3A_671, %swap3A_672], %select_n3A_670 {strides = array<i32>} : memref<256x8192xf32, #tpu.memory_space<vmem>>, vector<256x128xf32>,
      %min3A_674 = arith.minimumf %min3A_662, %select_n3A_670 : vector<256x128xf32>
      %get3A_675 = arith.constant 0 : index
      %get3A_676 = arith.constant 6400 : index
      %get3A_677 = vector.load %arg10[%get3A_675, %get3A_676] : memref<256x8192xf32, #tpu.memory_space<vmem>>, vector<256x128xf32>
      %eq3A_678 = arith.constant 50 : i32
      %eq3A_679 = vector.broadcast %eq3A_678 : i32 to vector<256x128xi32>
      %eq3A_680 = arith.cmpi eq, %scan3A_76, %eq3A_679 : vector<256x128xi32>
      %broadcast_in_dim3A_681 = vector.broadcast %scan3A : f32 to vector<256x128xf32>
      %select_n3A_682 = arith.select %eq3A_680, %broadcast_in_dim3A_681, %get3A_677 : vector<256x128xi1>, vector<256x128xf32>
      %swap3A_683 = arith.constant 0 : index
      %swap3A_684 = arith.constant 6400 : index
      %swap3A_685 = vector.load %arg10[%swap3A_683, %swap3A_684] : memref<256x8192xf32, #tpu.memory_space<vmem>>, vector<256x128xf32>
      tpu.vector_store %arg10[%swap3A_683, %swap3A_684], %select_n3A_682 {strides = array<i32>} : memref<256x8192xf32, #tpu.memory_space<vmem>>, vector<256x128xf32>,
      %min3A_686 = arith.minimumf %min3A_674, %select_n3A_682 : vector<256x128xf32>
      %get3A_687 = arith.constant 0 : index
      %get3A_688 = arith.constant 6528 : index
      %get3A_689 = vector.load %arg10[%get3A_687, %get3A_688] : memref<256x8192xf32, #tpu.memory_space<vmem>>, vector<256x128xf32>
      %eq3A_690 = arith.constant 51 : i32
      %eq3A_691 = vector.broadcast %eq3A_690 : i32 to vector<256x128xi32>
      %eq3A_692 = arith.cmpi eq, %scan3A_76, %eq3A_691 : vector<256x128xi32>
      %broadcast_in_dim3A_693 = vector.broadcast %scan3A : f32 to vector<256x128xf32>
      %select_n3A_694 = arith.select %eq3A_692, %broadcast_in_dim3A_693, %get3A_689 : vector<256x128xi1>, vector<256x128xf32>
      %swap3A_695 = arith.constant 0 : index
      %swap3A_696 = arith.constant 6528 : index
      %swap3A_697 = vector.load %arg10[%swap3A_695, %swap3A_696] : memref<256x8192xf32, #tpu.memory_space<vmem>>, vector<256x128xf32>
      tpu.vector_store %arg10[%swap3A_695, %swap3A_696], %select_n3A_694 {strides = array<i32>} : memref<256x8192xf32, #tpu.memory_space<vmem>>, vector<256x128xf32>,
      %min3A_698 = arith.minimumf %min3A_686, %select_n3A_694 : vector<256x128xf32>
      %get3A_699 = arith.constant 0 : index
      %get3A_700 = arith.constant 6656 : index
      %get3A_701 = vector.load %arg10[%get3A_699, %get3A_700] : memref<256x8192xf32, #tpu.memory_space<vmem>>, vector<256x128xf32>
      %eq3A_702 = arith.constant 52 : i32
      %eq3A_703 = vector.broadcast %eq3A_702 : i32 to vector<256x128xi32>
      %eq3A_704 = arith.cmpi eq, %scan3A_76, %eq3A_703 : vector<256x128xi32>
      %broadcast_in_dim3A_705 = vector.broadcast %scan3A : f32 to vector<256x128xf32>
      %select_n3A_706 = arith.select %eq3A_704, %broadcast_in_dim3A_705, %get3A_701 : vector<256x128xi1>, vector<256x128xf32>
      %swap3A_707 = arith.constant 0 : index
      %swap3A_708 = arith.constant 6656 : index
      %swap3A_709 = vector.load %arg10[%swap3A_707, %swap3A_708] : memref<256x8192xf32, #tpu.memory_space<vmem>>, vector<256x128xf32>
      tpu.vector_store %arg10[%swap3A_707, %swap3A_708], %select_n3A_706 {strides = array<i32>} : memref<256x8192xf32, #tpu.memory_space<vmem>>, vector<256x128xf32>,
      %min3A_710 = arith.minimumf %min3A_698, %select_n3A_706 : vector<256x128xf32>
      %get3A_711 = arith.constant 0 : index
      %get3A_712 = arith.constant 6784 : index
      %get3A_713 = vector.load %arg10[%get3A_711, %get3A_712] : memref<256x8192xf32, #tpu.memory_space<vmem>>, vector<256x128xf32>
      %eq3A_714 = arith.constant 53 : i32
      %eq3A_715 = vector.broadcast %eq3A_714 : i32 to vector<256x128xi32>
      %eq3A_716 = arith.cmpi eq, %scan3A_76, %eq3A_715 : vector<256x128xi32>
      %broadcast_in_dim3A_717 = vector.broadcast %scan3A : f32 to vector<256x128xf32>
      %select_n3A_718 = arith.select %eq3A_716, %broadcast_in_dim3A_717, %get3A_713 : vector<256x128xi1>, vector<256x128xf32>
      %swap3A_719 = arith.constant 0 : index
      %swap3A_720 = arith.constant 6784 : index
      %swap3A_721 = vector.load %arg10[%swap3A_719, %swap3A_720] : memref<256x8192xf32, #tpu.memory_space<vmem>>, vector<256x128xf32>
      tpu.vector_store %arg10[%swap3A_719, %swap3A_720], %select_n3A_718 {strides = array<i32>} : memref<256x8192xf32, #tpu.memory_space<vmem>>, vector<256x128xf32>,
      %min3A_722 = arith.minimumf %min3A_710, %select_n3A_718 : vector<256x128xf32>
      %get3A_723 = arith.constant 0 : index
      %get3A_724 = arith.constant 6912 : index
      %get3A_725 = vector.load %arg10[%get3A_723, %get3A_724] : memref<256x8192xf32, #tpu.memory_space<vmem>>, vector<256x128xf32>
      %eq3A_726 = arith.constant 54 : i32
      %eq3A_727 = vector.broadcast %eq3A_726 : i32 to vector<256x128xi32>
      %eq3A_728 = arith.cmpi eq, %scan3A_76, %eq3A_727 : vector<256x128xi32>
      %broadcast_in_dim3A_729 = vector.broadcast %scan3A : f32 to vector<256x128xf32>
      %select_n3A_730 = arith.select %eq3A_728, %broadcast_in_dim3A_729, %get3A_725 : vector<256x128xi1>, vector<256x128xf32>
      %swap3A_731 = arith.constant 0 : index
      %swap3A_732 = arith.constant 6912 : index
      %swap3A_733 = vector.load %arg10[%swap3A_731, %swap3A_732] : memref<256x8192xf32, #tpu.memory_space<vmem>>, vector<256x128xf32>
      tpu.vector_store %arg10[%swap3A_731, %swap3A_732], %select_n3A_730 {strides = array<i32>} : memref<256x8192xf32, #tpu.memory_space<vmem>>, vector<256x128xf32>,
      %min3A_734 = arith.minimumf %min3A_722, %select_n3A_730 : vector<256x128xf32>
      %get3A_735 = arith.constant 0 : index
      %get3A_736 = arith.constant 7040 : index
      %get3A_737 = vector.load %arg10[%get3A_735, %get3A_736] : memref<256x8192xf32, #tpu.memory_space<vmem>>, vector<256x128xf32>
      %eq3A_738 = arith.constant 55 : i32
      %eq3A_739 = vector.broadcast %eq3A_738 : i32 to vector<256x128xi32>
      %eq3A_740 = arith.cmpi eq, %scan3A_76, %eq3A_739 : vector<256x128xi32>
      %broadcast_in_dim3A_741 = vector.broadcast %scan3A : f32 to vector<256x128xf32>
      %select_n3A_742 = arith.select %eq3A_740, %broadcast_in_dim3A_741, %get3A_737 : vector<256x128xi1>, vector<256x128xf32>
      %swap3A_743 = arith.constant 0 : index
      %swap3A_744 = arith.constant 7040 : index
      %swap3A_745 = vector.load %arg10[%swap3A_743, %swap3A_744] : memref<256x8192xf32, #tpu.memory_space<vmem>>, vector<256x128xf32>
      tpu.vector_store %arg10[%swap3A_743, %swap3A_744], %select_n3A_742 {strides = array<i32>} : memref<256x8192xf32, #tpu.memory_space<vmem>>, vector<256x128xf32>,
      %min3A_746 = arith.minimumf %min3A_734, %select_n3A_742 : vector<256x128xf32>
      %get3A_747 = arith.constant 0 : index
      %get3A_748 = arith.constant 7168 : index
      %get3A_749 = vector.load %arg10[%get3A_747, %get3A_748] : memref<256x8192xf32, #tpu.memory_space<vmem>>, vector<256x128xf32>
      %eq3A_750 = arith.constant 56 : i32
      %eq3A_751 = vector.broadcast %eq3A_750 : i32 to vector<256x128xi32>
      %eq3A_752 = arith.cmpi eq, %scan3A_76, %eq3A_751 : vector<256x128xi32>
      %broadcast_in_dim3A_753 = vector.broadcast %scan3A : f32 to vector<256x128xf32>
      %select_n3A_754 = arith.select %eq3A_752, %broadcast_in_dim3A_753, %get3A_749 : vector<256x128xi1>, vector<256x128xf32>
      %swap3A_755 = arith.constant 0 : index
      %swap3A_756 = arith.constant 7168 : index
      %swap3A_757 = vector.load %arg10[%swap3A_755, %swap3A_756] : memref<256x8192xf32, #tpu.memory_space<vmem>>, vector<256x128xf32>
      tpu.vector_store %arg10[%swap3A_755, %swap3A_756], %select_n3A_754 {strides = array<i32>} : memref<256x8192xf32, #tpu.memory_space<vmem>>, vector<256x128xf32>,
      %min3A_758 = arith.minimumf %min3A_746, %select_n3A_754 : vector<256x128xf32>
      %get3A_759 = arith.constant 0 : index
      %get3A_760 = arith.constant 7296 : index
      %get3A_761 = vector.load %arg10[%get3A_759, %get3A_760] : memref<256x8192xf32, #tpu.memory_space<vmem>>, vector<256x128xf32>
      %eq3A_762 = arith.constant 57 : i32
      %eq3A_763 = vector.broadcast %eq3A_762 : i32 to vector<256x128xi32>
      %eq3A_764 = arith.cmpi eq, %scan3A_76, %eq3A_763 : vector<256x128xi32>
      %broadcast_in_dim3A_765 = vector.broadcast %scan3A : f32 to vector<256x128xf32>
      %select_n3A_766 = arith.select %eq3A_764, %broadcast_in_dim3A_765, %get3A_761 : vector<256x128xi1>, vector<256x128xf32>
      %swap3A_767 = arith.constant 0 : index
      %swap3A_768 = arith.constant 7296 : index
      %swap3A_769 = vector.load %arg10[%swap3A_767, %swap3A_768] : memref<256x8192xf32, #tpu.memory_space<vmem>>, vector<256x128xf32>
      tpu.vector_store %arg10[%swap3A_767, %swap3A_768], %select_n3A_766 {strides = array<i32>} : memref<256x8192xf32, #tpu.memory_space<vmem>>, vector<256x128xf32>,
      %min3A_770 = arith.minimumf %min3A_758, %select_n3A_766 : vector<256x128xf32>
      %get3A_771 = arith.constant 0 : index
      %get3A_772 = arith.constant 7424 : index
      %get3A_773 = vector.load %arg10[%get3A_771, %get3A_772] : memref<256x8192xf32, #tpu.memory_space<vmem>>, vector<256x128xf32>
      %eq3A_774 = arith.constant 58 : i32
      %eq3A_775 = vector.broadcast %eq3A_774 : i32 to vector<256x128xi32>
      %eq3A_776 = arith.cmpi eq, %scan3A_76, %eq3A_775 : vector<256x128xi32>
      %broadcast_in_dim3A_777 = vector.broadcast %scan3A : f32 to vector<256x128xf32>
      %select_n3A_778 = arith.select %eq3A_776, %broadcast_in_dim3A_777, %get3A_773 : vector<256x128xi1>, vector<256x128xf32>
      %swap3A_779 = arith.constant 0 : index
      %swap3A_780 = arith.constant 7424 : index
      %swap3A_781 = vector.load %arg10[%swap3A_779, %swap3A_780] : memref<256x8192xf32, #tpu.memory_space<vmem>>, vector<256x128xf32>
      tpu.vector_store %arg10[%swap3A_779, %swap3A_780], %select_n3A_778 {strides = array<i32>} : memref<256x8192xf32, #tpu.memory_space<vmem>>, vector<256x128xf32>,
      %min3A_782 = arith.minimumf %min3A_770, %select_n3A_778 : vector<256x128xf32>
      %get3A_783 = arith.constant 0 : index
      %get3A_784 = arith.constant 7552 : index
      %get3A_785 = vector.load %arg10[%get3A_783, %get3A_784] : memref<256x8192xf32, #tpu.memory_space<vmem>>, vector<256x128xf32>
      %eq3A_786 = arith.constant 59 : i32
      %eq3A_787 = vector.broadcast %eq3A_786 : i32 to vector<256x128xi32>
      %eq3A_788 = arith.cmpi eq, %scan3A_76, %eq3A_787 : vector<256x128xi32>
      %broadcast_in_dim3A_789 = vector.broadcast %scan3A : f32 to vector<256x128xf32>
      %select_n3A_790 = arith.select %eq3A_788, %broadcast_in_dim3A_789, %get3A_785 : vector<256x128xi1>, vector<256x128xf32>
      %swap3A_791 = arith.constant 0 : index
      %swap3A_792 = arith.constant 7552 : index
      %swap3A_793 = vector.load %arg10[%swap3A_791, %swap3A_792] : memref<256x8192xf32, #tpu.memory_space<vmem>>, vector<256x128xf32>
      tpu.vector_store %arg10[%swap3A_791, %swap3A_792], %select_n3A_790 {strides = array<i32>} : memref<256x8192xf32, #tpu.memory_space<vmem>>, vector<256x128xf32>,
      %min3A_794 = arith.minimumf %min3A_782, %select_n3A_790 : vector<256x128xf32>
      %get3A_795 = arith.constant 0 : index
      %get3A_796 = arith.constant 7680 : index
      %get3A_797 = vector.load %arg10[%get3A_795, %get3A_796] : memref<256x8192xf32, #tpu.memory_space<vmem>>, vector<256x128xf32>
      %eq3A_798 = arith.constant 60 : i32
      %eq3A_799 = vector.broadcast %eq3A_798 : i32 to vector<256x128xi32>
      %eq3A_800 = arith.cmpi eq, %scan3A_76, %eq3A_799 : vector<256x128xi32>
      %broadcast_in_dim3A_801 = vector.broadcast %scan3A : f32 to vector<256x128xf32>
      %select_n3A_802 = arith.select %eq3A_800, %broadcast_in_dim3A_801, %get3A_797 : vector<256x128xi1>, vector<256x128xf32>
      %swap3A_803 = arith.constant 0 : index
      %swap3A_804 = arith.constant 7680 : index
      %swap3A_805 = vector.load %arg10[%swap3A_803, %swap3A_804] : memref<256x8192xf32, #tpu.memory_space<vmem>>, vector<256x128xf32>
      tpu.vector_store %arg10[%swap3A_803, %swap3A_804], %select_n3A_802 {strides = array<i32>} : memref<256x8192xf32, #tpu.memory_space<vmem>>, vector<256x128xf32>,
      %min3A_806 = arith.minimumf %min3A_794, %select_n3A_802 : vector<256x128xf32>
      %get3A_807 = arith.constant 0 : index
      %get3A_808 = arith.constant 7808 : index
      %get3A_809 = vector.load %arg10[%get3A_807, %get3A_808] : memref<256x8192xf32, #tpu.memory_space<vmem>>, vector<256x128xf32>
      %eq3A_810 = arith.constant 61 : i32
      %eq3A_811 = vector.broadcast %eq3A_810 : i32 to vector<256x128xi32>
      %eq3A_812 = arith.cmpi eq, %scan3A_76, %eq3A_811 : vector<256x128xi32>
      %broadcast_in_dim3A_813 = vector.broadcast %scan3A : f32 to vector<256x128xf32>
      %select_n3A_814 = arith.select %eq3A_812, %broadcast_in_dim3A_813, %get3A_809 : vector<256x128xi1>, vector<256x128xf32>
      %swap3A_815 = arith.constant 0 : index
      %swap3A_816 = arith.constant 7808 : index
      %swap3A_817 = vector.load %arg10[%swap3A_815, %swap3A_816] : memref<256x8192xf32, #tpu.memory_space<vmem>>, vector<256x128xf32>
      tpu.vector_store %arg10[%swap3A_815, %swap3A_816], %select_n3A_814 {strides = array<i32>} : memref<256x8192xf32, #tpu.memory_space<vmem>>, vector<256x128xf32>,
      %min3A_818 = arith.minimumf %min3A_806, %select_n3A_814 : vector<256x128xf32>
      %get3A_819 = arith.constant 0 : index
      %get3A_820 = arith.constant 7936 : index
      %get3A_821 = vector.load %arg10[%get3A_819, %get3A_820] : memref<256x8192xf32, #tpu.memory_space<vmem>>, vector<256x128xf32>
      %eq3A_822 = arith.constant 62 : i32
      %eq3A_823 = vector.broadcast %eq3A_822 : i32 to vector<256x128xi32>
      %eq3A_824 = arith.cmpi eq, %scan3A_76, %eq3A_823 : vector<256x128xi32>
      %broadcast_in_dim3A_825 = vector.broadcast %scan3A : f32 to vector<256x128xf32>
      %select_n3A_826 = arith.select %eq3A_824, %broadcast_in_dim3A_825, %get3A_821 : vector<256x128xi1>, vector<256x128xf32>
      %swap3A_827 = arith.constant 0 : index
      %swap3A_828 = arith.constant 7936 : index
      %swap3A_829 = vector.load %arg10[%swap3A_827, %swap3A_828] : memref<256x8192xf32, #tpu.memory_space<vmem>>, vector<256x128xf32>
      tpu.vector_store %arg10[%swap3A_827, %swap3A_828], %select_n3A_826 {strides = array<i32>} : memref<256x8192xf32, #tpu.memory_space<vmem>>, vector<256x128xf32>,
      %min3A_830 = arith.minimumf %min3A_818, %select_n3A_826 : vector<256x128xf32>
      %get3A_831 = arith.constant 0 : index
      %get3A_832 = arith.constant 8064 : index
      %get3A_833 = vector.load %arg10[%get3A_831, %get3A_832] : memref<256x8192xf32, #tpu.memory_space<vmem>>, vector<256x128xf32>
      %eq3A_834 = arith.constant 63 : i32
      %eq3A_835 = vector.broadcast %eq3A_834 : i32 to vector<256x128xi32>
      %eq3A_836 = arith.cmpi eq, %scan3A_76, %eq3A_835 : vector<256x128xi32>
      %broadcast_in_dim3A_837 = vector.broadcast %scan3A : f32 to vector<256x128xf32>
      %select_n3A_838 = arith.select %eq3A_836, %broadcast_in_dim3A_837, %get3A_833 : vector<256x128xi1>, vector<256x128xf32>
      %swap3A_839 = arith.constant 0 : index
      %swap3A_840 = arith.constant 8064 : index
      %swap3A_841 = vector.load %arg10[%swap3A_839, %swap3A_840] : memref<256x8192xf32, #tpu.memory_space<vmem>>, vector<256x128xf32>
      tpu.vector_store %arg10[%swap3A_839, %swap3A_840], %select_n3A_838 {strides = array<i32>} : memref<256x8192xf32, #tpu.memory_space<vmem>>, vector<256x128xf32>,
      %min3A_842 = arith.minimumf %min3A_830, %select_n3A_838 : vector<256x128xf32>
      %get3A_843 = arith.constant 0 : index
      %get3A_844 = arith.constant 0 : index
      %get3A_845 = vector.load %arg10[%get3A_843, %get3A_844] : memref<256x8192xf32, #tpu.memory_space<vmem>>, vector<256x8192xf32>
      %broadcast_in_dim3A_846 = arith.constant 64 : i32
      %broadcast_in_dim3A_847 = vector.broadcast %broadcast_in_dim3A_846 : i32 to vector<256x128xi32>
      %slice3A_848 = vector.extract_strided_slice %get3A_845 {offsets = [0, 8064], sizes = [256, 128], strides = [1, 1]} : vector<256x8192xf32> to vector<256x128xf32>
      %eq3A_849 = arith.cmpf oeq, %slice3A_848, %min3A_842 : vector<256x128xf32>
      %jit3A = arith.constant 63 : i32
      %broadcast_in_dim3A_850 = vector.broadcast %jit3A : i32 to vector<256x128xi32>
      %select_n3A_851 = arith.select %eq3A_849, %broadcast_in_dim3A_850, %broadcast_in_dim3A_847 : vector<256x128xi1>, vector<256x128xi32>
      %slice3A_852 = vector.extract_strided_slice %get3A_845 {offsets = [0, 7936], sizes = [256, 128], strides = [1, 1]} : vector<256x8192xf32> to vector<256x128xf32>
      %eq3A_853 = arith.cmpf oeq, %slice3A_852, %min3A_842 : vector<256x128xf32>
      %jit3A_854 = arith.constant 62 : i32
      %broadcast_in_dim3A_855 = vector.broadcast %jit3A_854 : i32 to vector<256x128xi32>
      %select_n3A_856 = arith.select %eq3A_853, %broadcast_in_dim3A_855, %select_n3A_851 : vector<256x128xi1>, vector<256x128xi32>
      %slice3A_857 = vector.extract_strided_slice %get3A_845 {offsets = [0, 7808], sizes = [256, 128], strides = [1, 1]} : vector<256x8192xf32> to vector<256x128xf32>
      %eq3A_858 = arith.cmpf oeq, %slice3A_857, %min3A_842 : vector<256x128xf32>
      %jit3A_859 = arith.constant 61 : i32
      %broadcast_in_dim3A_860 = vector.broadcast %jit3A_859 : i32 to vector<256x128xi32>
      %select_n3A_861 = arith.select %eq3A_858, %broadcast_in_dim3A_860, %select_n3A_856 : vector<256x128xi1>, vector<256x128xi32>
      %slice3A_862 = vector.extract_strided_slice %get3A_845 {offsets = [0, 7680], sizes = [256, 128], strides = [1, 1]} : vector<256x8192xf32> to vector<256x128xf32>
      %eq3A_863 = arith.cmpf oeq, %slice3A_862, %min3A_842 : vector<256x128xf32>
      %jit3A_864 = arith.constant 60 : i32
      %broadcast_in_dim3A_865 = vector.broadcast %jit3A_864 : i32 to vector<256x128xi32>
      %select_n3A_866 = arith.select %eq3A_863, %broadcast_in_dim3A_865, %select_n3A_861 : vector<256x128xi1>, vector<256x128xi32>
      %slice3A_867 = vector.extract_strided_slice %get3A_845 {offsets = [0, 7552], sizes = [256, 128], strides = [1, 1]} : vector<256x8192xf32> to vector<256x128xf32>
      %eq3A_868 = arith.cmpf oeq, %slice3A_867, %min3A_842 : vector<256x128xf32>
      %jit3A_869 = arith.constant 59 : i32
      %broadcast_in_dim3A_870 = vector.broadcast %jit3A_869 : i32 to vector<256x128xi32>
      %select_n3A_871 = arith.select %eq3A_868, %broadcast_in_dim3A_870, %select_n3A_866 : vector<256x128xi1>, vector<256x128xi32>
      %slice3A_872 = vector.extract_strided_slice %get3A_845 {offsets = [0, 7424], sizes = [256, 128], strides = [1, 1]} : vector<256x8192xf32> to vector<256x128xf32>
      %eq3A_873 = arith.cmpf oeq, %slice3A_872, %min3A_842 : vector<256x128xf32>
      %jit3A_874 = arith.constant 58 : i32
      %broadcast_in_dim3A_875 = vector.broadcast %jit3A_874 : i32 to vector<256x128xi32>
      %select_n3A_876 = arith.select %eq3A_873, %broadcast_in_dim3A_875, %select_n3A_871 : vector<256x128xi1>, vector<256x128xi32>
      %slice3A_877 = vector.extract_strided_slice %get3A_845 {offsets = [0, 7296], sizes = [256, 128], strides = [1, 1]} : vector<256x8192xf32> to vector<256x128xf32>
      %eq3A_878 = arith.cmpf oeq, %slice3A_877, %min3A_842 : vector<256x128xf32>
      %jit3A_879 = arith.constant 57 : i32
      %broadcast_in_dim3A_880 = vector.broadcast %jit3A_879 : i32 to vector<256x128xi32>
      %select_n3A_881 = arith.select %eq3A_878, %broadcast_in_dim3A_880, %select_n3A_876 : vector<256x128xi1>, vector<256x128xi32>
      %slice3A_882 = vector.extract_strided_slice %get3A_845 {offsets = [0, 7168], sizes = [256, 128], strides = [1, 1]} : vector<256x8192xf32> to vector<256x128xf32>
      %eq3A_883 = arith.cmpf oeq, %slice3A_882, %min3A_842 : vector<256x128xf32>
      %jit3A_884 = arith.constant 56 : i32
      %broadcast_in_dim3A_885 = vector.broadcast %jit3A_884 : i32 to vector<256x128xi32>
      %select_n3A_886 = arith.select %eq3A_883, %broadcast_in_dim3A_885, %select_n3A_881 : vector<256x128xi1>, vector<256x128xi32>
      %slice3A_887 = vector.extract_strided_slice %get3A_845 {offsets = [0, 7040], sizes = [256, 128], strides = [1, 1]} : vector<256x8192xf32> to vector<256x128xf32>
      %eq3A_888 = arith.cmpf oeq, %slice3A_887, %min3A_842 : vector<256x128xf32>
      %jit3A_889 = arith.constant 55 : i32
      %broadcast_in_dim3A_890 = vector.broadcast %jit3A_889 : i32 to vector<256x128xi32>
      %select_n3A_891 = arith.select %eq3A_888, %broadcast_in_dim3A_890, %select_n3A_886 : vector<256x128xi1>, vector<256x128xi32>
      %slice3A_892 = vector.extract_strided_slice %get3A_845 {offsets = [0, 6912], sizes = [256, 128], strides = [1, 1]} : vector<256x8192xf32> to vector<256x128xf32>
      %eq3A_893 = arith.cmpf oeq, %slice3A_892, %min3A_842 : vector<256x128xf32>
      %jit3A_894 = arith.constant 54 : i32
      %broadcast_in_dim3A_895 = vector.broadcast %jit3A_894 : i32 to vector<256x128xi32>
      %select_n3A_896 = arith.select %eq3A_893, %broadcast_in_dim3A_895, %select_n3A_891 : vector<256x128xi1>, vector<256x128xi32>
      %slice3A_897 = vector.extract_strided_slice %get3A_845 {offsets = [0, 6784], sizes = [256, 128], strides = [1, 1]} : vector<256x8192xf32> to vector<256x128xf32>
      %eq3A_898 = arith.cmpf oeq, %slice3A_897, %min3A_842 : vector<256x128xf32>
      %jit3A_899 = arith.constant 53 : i32
      %broadcast_in_dim3A_900 = vector.broadcast %jit3A_899 : i32 to vector<256x128xi32>
      %select_n3A_901 = arith.select %eq3A_898, %broadcast_in_dim3A_900, %select_n3A_896 : vector<256x128xi1>, vector<256x128xi32>
      %slice3A_902 = vector.extract_strided_slice %get3A_845 {offsets = [0, 6656], sizes = [256, 128], strides = [1, 1]} : vector<256x8192xf32> to vector<256x128xf32>
      %eq3A_903 = arith.cmpf oeq, %slice3A_902, %min3A_842 : vector<256x128xf32>
      %jit3A_904 = arith.constant 52 : i32
      %broadcast_in_dim3A_905 = vector.broadcast %jit3A_904 : i32 to vector<256x128xi32>
      %select_n3A_906 = arith.select %eq3A_903, %broadcast_in_dim3A_905, %select_n3A_901 : vector<256x128xi1>, vector<256x128xi32>
      %slice3A_907 = vector.extract_strided_slice %get3A_845 {offsets = [0, 6528], sizes = [256, 128], strides = [1, 1]} : vector<256x8192xf32> to vector<256x128xf32>
      %eq3A_908 = arith.cmpf oeq, %slice3A_907, %min3A_842 : vector<256x128xf32>
      %jit3A_909 = arith.constant 51 : i32
      %broadcast_in_dim3A_910 = vector.broadcast %jit3A_909 : i32 to vector<256x128xi32>
      %select_n3A_911 = arith.select %eq3A_908, %broadcast_in_dim3A_910, %select_n3A_906 : vector<256x128xi1>, vector<256x128xi32>
      %slice3A_912 = vector.extract_strided_slice %get3A_845 {offsets = [0, 6400], sizes = [256, 128], strides = [1, 1]} : vector<256x8192xf32> to vector<256x128xf32>
      %eq3A_913 = arith.cmpf oeq, %slice3A_912, %min3A_842 : vector<256x128xf32>
      %jit3A_914 = arith.constant 50 : i32
      %broadcast_in_dim3A_915 = vector.broadcast %jit3A_914 : i32 to vector<256x128xi32>
      %select_n3A_916 = arith.select %eq3A_913, %broadcast_in_dim3A_915, %select_n3A_911 : vector<256x128xi1>, vector<256x128xi32>
      %slice3A_917 = vector.extract_strided_slice %get3A_845 {offsets = [0, 6272], sizes = [256, 128], strides = [1, 1]} : vector<256x8192xf32> to vector<256x128xf32>
      %eq3A_918 = arith.cmpf oeq, %slice3A_917, %min3A_842 : vector<256x128xf32>
      %jit3A_919 = arith.constant 49 : i32
      %broadcast_in_dim3A_920 = vector.broadcast %jit3A_919 : i32 to vector<256x128xi32>
      %select_n3A_921 = arith.select %eq3A_918, %broadcast_in_dim3A_920, %select_n3A_916 : vector<256x128xi1>, vector<256x128xi32>
      %slice3A_922 = vector.extract_strided_slice %get3A_845 {offsets = [0, 6144], sizes = [256, 128], strides = [1, 1]} : vector<256x8192xf32> to vector<256x128xf32>
      %eq3A_923 = arith.cmpf oeq, %slice3A_922, %min3A_842 : vector<256x128xf32>
      %jit3A_924 = arith.constant 48 : i32
      %broadcast_in_dim3A_925 = vector.broadcast %jit3A_924 : i32 to vector<256x128xi32>
      %select_n3A_926 = arith.select %eq3A_923, %broadcast_in_dim3A_925, %select_n3A_921 : vector<256x128xi1>, vector<256x128xi32>
      %slice3A_927 = vector.extract_strided_slice %get3A_845 {offsets = [0, 6016], sizes = [256, 128], strides = [1, 1]} : vector<256x8192xf32> to vector<256x128xf32>
      %eq3A_928 = arith.cmpf oeq, %slice3A_927, %min3A_842 : vector<256x128xf32>
      %jit3A_929 = arith.constant 47 : i32
      %broadcast_in_dim3A_930 = vector.broadcast %jit3A_929 : i32 to vector<256x128xi32>
      %select_n3A_931 = arith.select %eq3A_928, %broadcast_in_dim3A_930, %select_n3A_926 : vector<256x128xi1>, vector<256x128xi32>
      %slice3A_932 = vector.extract_strided_slice %get3A_845 {offsets = [0, 5888], sizes = [256, 128], strides = [1, 1]} : vector<256x8192xf32> to vector<256x128xf32>
      %eq3A_933 = arith.cmpf oeq, %slice3A_932, %min3A_842 : vector<256x128xf32>
      %jit3A_934 = arith.constant 46 : i32
      %broadcast_in_dim3A_935 = vector.broadcast %jit3A_934 : i32 to vector<256x128xi32>
      %select_n3A_936 = arith.select %eq3A_933, %broadcast_in_dim3A_935, %select_n3A_931 : vector<256x128xi1>, vector<256x128xi32>
      %slice3A_937 = vector.extract_strided_slice %get3A_845 {offsets = [0, 5760], sizes = [256, 128], strides = [1, 1]} : vector<256x8192xf32> to vector<256x128xf32>
      %eq3A_938 = arith.cmpf oeq, %slice3A_937, %min3A_842 : vector<256x128xf32>
      %jit3A_939 = arith.constant 45 : i32
      %broadcast_in_dim3A_940 = vector.broadcast %jit3A_939 : i32 to vector<256x128xi32>
      %select_n3A_941 = arith.select %eq3A_938, %broadcast_in_dim3A_940, %select_n3A_936 : vector<256x128xi1>, vector<256x128xi32>
      %slice3A_942 = vector.extract_strided_slice %get3A_845 {offsets = [0, 5632], sizes = [256, 128], strides = [1, 1]} : vector<256x8192xf32> to vector<256x128xf32>
      %eq3A_943 = arith.cmpf oeq, %slice3A_942, %min3A_842 : vector<256x128xf32>
      %jit3A_944 = arith.constant 44 : i32
      %broadcast_in_dim3A_945 = vector.broadcast %jit3A_944 : i32 to vector<256x128xi32>
      %select_n3A_946 = arith.select %eq3A_943, %broadcast_in_dim3A_945, %select_n3A_941 : vector<256x128xi1>, vector<256x128xi32>
      %slice3A_947 = vector.extract_strided_slice %get3A_845 {offsets = [0, 5504], sizes = [256, 128], strides = [1, 1]} : vector<256x8192xf32> to vector<256x128xf32>
      %eq3A_948 = arith.cmpf oeq, %slice3A_947, %min3A_842 : vector<256x128xf32>
      %jit3A_949 = arith.constant 43 : i32
      %broadcast_in_dim3A_950 = vector.broadcast %jit3A_949 : i32 to vector<256x128xi32>
      %select_n3A_951 = arith.select %eq3A_948, %broadcast_in_dim3A_950, %select_n3A_946 : vector<256x128xi1>, vector<256x128xi32>
      %slice3A_952 = vector.extract_strided_slice %get3A_845 {offsets = [0, 5376], sizes = [256, 128], strides = [1, 1]} : vector<256x8192xf32> to vector<256x128xf32>
      %eq3A_953 = arith.cmpf oeq, %slice3A_952, %min3A_842 : vector<256x128xf32>
      %jit3A_954 = arith.constant 42 : i32
      %broadcast_in_dim3A_955 = vector.broadcast %jit3A_954 : i32 to vector<256x128xi32>
      %select_n3A_956 = arith.select %eq3A_953, %broadcast_in_dim3A_955, %select_n3A_951 : vector<256x128xi1>, vector<256x128xi32>
      %slice3A_957 = vector.extract_strided_slice %get3A_845 {offsets = [0, 5248], sizes = [256, 128], strides = [1, 1]} : vector<256x8192xf32> to vector<256x128xf32>
      %eq3A_958 = arith.cmpf oeq, %slice3A_957, %min3A_842 : vector<256x128xf32>
      %jit3A_959 = arith.constant 41 : i32
      %broadcast_in_dim3A_960 = vector.broadcast %jit3A_959 : i32 to vector<256x128xi32>
      %select_n3A_961 = arith.select %eq3A_958, %broadcast_in_dim3A_960, %select_n3A_956 : vector<256x128xi1>, vector<256x128xi32>
      %slice3A_962 = vector.extract_strided_slice %get3A_845 {offsets = [0, 5120], sizes = [256, 128], strides = [1, 1]} : vector<256x8192xf32> to vector<256x128xf32>
      %eq3A_963 = arith.cmpf oeq, %slice3A_962, %min3A_842 : vector<256x128xf32>
      %jit3A_964 = arith.constant 40 : i32
      %broadcast_in_dim3A_965 = vector.broadcast %jit3A_964 : i32 to vector<256x128xi32>
      %select_n3A_966 = arith.select %eq3A_963, %broadcast_in_dim3A_965, %select_n3A_961 : vector<256x128xi1>, vector<256x128xi32>
      %slice3A_967 = vector.extract_strided_slice %get3A_845 {offsets = [0, 4992], sizes = [256, 128], strides = [1, 1]} : vector<256x8192xf32> to vector<256x128xf32>
      %eq3A_968 = arith.cmpf oeq, %slice3A_967, %min3A_842 : vector<256x128xf32>
      %jit3A_969 = arith.constant 39 : i32
      %broadcast_in_dim3A_970 = vector.broadcast %jit3A_969 : i32 to vector<256x128xi32>
      %select_n3A_971 = arith.select %eq3A_968, %broadcast_in_dim3A_970, %select_n3A_966 : vector<256x128xi1>, vector<256x128xi32>
      %slice3A_972 = vector.extract_strided_slice %get3A_845 {offsets = [0, 4864], sizes = [256, 128], strides = [1, 1]} : vector<256x8192xf32> to vector<256x128xf32>
      %eq3A_973 = arith.cmpf oeq, %slice3A_972, %min3A_842 : vector<256x128xf32>
      %jit3A_974 = arith.constant 38 : i32
      %broadcast_in_dim3A_975 = vector.broadcast %jit3A_974 : i32 to vector<256x128xi32>
      %select_n3A_976 = arith.select %eq3A_973, %broadcast_in_dim3A_975, %select_n3A_971 : vector<256x128xi1>, vector<256x128xi32>
      %slice3A_977 = vector.extract_strided_slice %get3A_845 {offsets = [0, 4736], sizes = [256, 128], strides = [1, 1]} : vector<256x8192xf32> to vector<256x128xf32>
      %eq3A_978 = arith.cmpf oeq, %slice3A_977, %min3A_842 : vector<256x128xf32>
      %jit3A_979 = arith.constant 37 : i32
      %broadcast_in_dim3A_980 = vector.broadcast %jit3A_979 : i32 to vector<256x128xi32>
      %select_n3A_981 = arith.select %eq3A_978, %broadcast_in_dim3A_980, %select_n3A_976 : vector<256x128xi1>, vector<256x128xi32>
      %slice3A_982 = vector.extract_strided_slice %get3A_845 {offsets = [0, 4608], sizes = [256, 128], strides = [1, 1]} : vector<256x8192xf32> to vector<256x128xf32>
      %eq3A_983 = arith.cmpf oeq, %slice3A_982, %min3A_842 : vector<256x128xf32>
      %jit3A_984 = arith.constant 36 : i32
      %broadcast_in_dim3A_985 = vector.broadcast %jit3A_984 : i32 to vector<256x128xi32>
      %select_n3A_986 = arith.select %eq3A_983, %broadcast_in_dim3A_985, %select_n3A_981 : vector<256x128xi1>, vector<256x128xi32>
      %slice3A_987 = vector.extract_strided_slice %get3A_845 {offsets = [0, 4480], sizes = [256, 128], strides = [1, 1]} : vector<256x8192xf32> to vector<256x128xf32>
      %eq3A_988 = arith.cmpf oeq, %slice3A_987, %min3A_842 : vector<256x128xf32>
      %jit3A_989 = arith.constant 35 : i32
      %broadcast_in_dim3A_990 = vector.broadcast %jit3A_989 : i32 to vector<256x128xi32>
      %select_n3A_991 = arith.select %eq3A_988, %broadcast_in_dim3A_990, %select_n3A_986 : vector<256x128xi1>, vector<256x128xi32>
      %slice3A_992 = vector.extract_strided_slice %get3A_845 {offsets = [0, 4352], sizes = [256, 128], strides = [1, 1]} : vector<256x8192xf32> to vector<256x128xf32>
      %eq3A_993 = arith.cmpf oeq, %slice3A_992, %min3A_842 : vector<256x128xf32>
      %jit3A_994 = arith.constant 34 : i32
      %broadcast_in_dim3A_995 = vector.broadcast %jit3A_994 : i32 to vector<256x128xi32>
      %select_n3A_996 = arith.select %eq3A_993, %broadcast_in_dim3A_995, %select_n3A_991 : vector<256x128xi1>, vector<256x128xi32>
      %slice3A_997 = vector.extract_strided_slice %get3A_845 {offsets = [0, 4224], sizes = [256, 128], strides = [1, 1]} : vector<256x8192xf32> to vector<256x128xf32>
      %eq3A_998 = arith.cmpf oeq, %slice3A_997, %min3A_842 : vector<256x128xf32>
      %jit3A_999 = arith.constant 33 : i32
      %broadcast_in_dim3A_1000 = vector.broadcast %jit3A_999 : i32 to vector<256x128xi32>
      %select_n3A_1001 = arith.select %eq3A_998, %broadcast_in_dim3A_1000, %select_n3A_996 : vector<256x128xi1>, vector<256x128xi32>
      %slice3A_1002 = vector.extract_strided_slice %get3A_845 {offsets = [0, 4096], sizes = [256, 128], strides = [1, 1]} : vector<256x8192xf32> to vector<256x128xf32>
      %eq3A_1003 = arith.cmpf oeq, %slice3A_1002, %min3A_842 : vector<256x128xf32>
      %jit3A_1004 = arith.constant 32 : i32
      %broadcast_in_dim3A_1005 = vector.broadcast %jit3A_1004 : i32 to vector<256x128xi32>
      %select_n3A_1006 = arith.select %eq3A_1003, %broadcast_in_dim3A_1005, %select_n3A_1001 : vector<256x128xi1>, vector<256x128xi32>
      %slice3A_1007 = vector.extract_strided_slice %get3A_845 {offsets = [0, 3968], sizes = [256, 128], strides = [1, 1]} : vector<256x8192xf32> to vector<256x128xf32>
      %eq3A_1008 = arith.cmpf oeq, %slice3A_1007, %min3A_842 : vector<256x128xf32>
      %jit3A_1009 = arith.constant 31 : i32
      %broadcast_in_dim3A_1010 = vector.broadcast %jit3A_1009 : i32 to vector<256x128xi32>
      %select_n3A_1011 = arith.select %eq3A_1008, %broadcast_in_dim3A_1010, %select_n3A_1006 : vector<256x128xi1>, vector<256x128xi32>
      %slice3A_1012 = vector.extract_strided_slice %get3A_845 {offsets = [0, 3840], sizes = [256, 128], strides = [1, 1]} : vector<256x8192xf32> to vector<256x128xf32>
      %eq3A_1013 = arith.cmpf oeq, %slice3A_1012, %min3A_842 : vector<256x128xf32>
      %jit3A_1014 = arith.constant 30 : i32
      %broadcast_in_dim3A_1015 = vector.broadcast %jit3A_1014 : i32 to vector<256x128xi32>
      %select_n3A_1016 = arith.select %eq3A_1013, %broadcast_in_dim3A_1015, %select_n3A_1011 : vector<256x128xi1>, vector<256x128xi32>
      %slice3A_1017 = vector.extract_strided_slice %get3A_845 {offsets = [0, 3712], sizes = [256, 128], strides = [1, 1]} : vector<256x8192xf32> to vector<256x128xf32>
      %eq3A_1018 = arith.cmpf oeq, %slice3A_1017, %min3A_842 : vector<256x128xf32>
      %jit3A_1019 = arith.constant 29 : i32
      %broadcast_in_dim3A_1020 = vector.broadcast %jit3A_1019 : i32 to vector<256x128xi32>
      %select_n3A_1021 = arith.select %eq3A_1018, %broadcast_in_dim3A_1020, %select_n3A_1016 : vector<256x128xi1>, vector<256x128xi32>
      %slice3A_1022 = vector.extract_strided_slice %get3A_845 {offsets = [0, 3584], sizes = [256, 128], strides = [1, 1]} : vector<256x8192xf32> to vector<256x128xf32>
      %eq3A_1023 = arith.cmpf oeq, %slice3A_1022, %min3A_842 : vector<256x128xf32>
      %jit3A_1024 = arith.constant 28 : i32
      %broadcast_in_dim3A_1025 = vector.broadcast %jit3A_1024 : i32 to vector<256x128xi32>
      %select_n3A_1026 = arith.select %eq3A_1023, %broadcast_in_dim3A_1025, %select_n3A_1021 : vector<256x128xi1>, vector<256x128xi32>
      %slice3A_1027 = vector.extract_strided_slice %get3A_845 {offsets = [0, 3456], sizes = [256, 128], strides = [1, 1]} : vector<256x8192xf32> to vector<256x128xf32>
      %eq3A_1028 = arith.cmpf oeq, %slice3A_1027, %min3A_842 : vector<256x128xf32>
      %jit3A_1029 = arith.constant 27 : i32
      %broadcast_in_dim3A_1030 = vector.broadcast %jit3A_1029 : i32 to vector<256x128xi32>
      %select_n3A_1031 = arith.select %eq3A_1028, %broadcast_in_dim3A_1030, %select_n3A_1026 : vector<256x128xi1>, vector<256x128xi32>
      %slice3A_1032 = vector.extract_strided_slice %get3A_845 {offsets = [0, 3328], sizes = [256, 128], strides = [1, 1]} : vector<256x8192xf32> to vector<256x128xf32>
      %eq3A_1033 = arith.cmpf oeq, %slice3A_1032, %min3A_842 : vector<256x128xf32>
      %jit3A_1034 = arith.constant 26 : i32
      %broadcast_in_dim3A_1035 = vector.broadcast %jit3A_1034 : i32 to vector<256x128xi32>
      %select_n3A_1036 = arith.select %eq3A_1033, %broadcast_in_dim3A_1035, %select_n3A_1031 : vector<256x128xi1>, vector<256x128xi32>
      %slice3A_1037 = vector.extract_strided_slice %get3A_845 {offsets = [0, 3200], sizes = [256, 128], strides = [1, 1]} : vector<256x8192xf32> to vector<256x128xf32>
      %eq3A_1038 = arith.cmpf oeq, %slice3A_1037, %min3A_842 : vector<256x128xf32>
      %jit3A_1039 = arith.constant 25 : i32
      %broadcast_in_dim3A_1040 = vector.broadcast %jit3A_1039 : i32 to vector<256x128xi32>
      %select_n3A_1041 = arith.select %eq3A_1038, %broadcast_in_dim3A_1040, %select_n3A_1036 : vector<256x128xi1>, vector<256x128xi32>
      %slice3A_1042 = vector.extract_strided_slice %get3A_845 {offsets = [0, 3072], sizes = [256, 128], strides = [1, 1]} : vector<256x8192xf32> to vector<256x128xf32>
      %eq3A_1043 = arith.cmpf oeq, %slice3A_1042, %min3A_842 : vector<256x128xf32>
      %jit3A_1044 = arith.constant 24 : i32
      %broadcast_in_dim3A_1045 = vector.broadcast %jit3A_1044 : i32 to vector<256x128xi32>
      %select_n3A_1046 = arith.select %eq3A_1043, %broadcast_in_dim3A_1045, %select_n3A_1041 : vector<256x128xi1>, vector<256x128xi32>
      %slice3A_1047 = vector.extract_strided_slice %get3A_845 {offsets = [0, 2944], sizes = [256, 128], strides = [1, 1]} : vector<256x8192xf32> to vector<256x128xf32>
      %eq3A_1048 = arith.cmpf oeq, %slice3A_1047, %min3A_842 : vector<256x128xf32>
      %jit3A_1049 = arith.constant 23 : i32
      %broadcast_in_dim3A_1050 = vector.broadcast %jit3A_1049 : i32 to vector<256x128xi32>
      %select_n3A_1051 = arith.select %eq3A_1048, %broadcast_in_dim3A_1050, %select_n3A_1046 : vector<256x128xi1>, vector<256x128xi32>
      %slice3A_1052 = vector.extract_strided_slice %get3A_845 {offsets = [0, 2816], sizes = [256, 128], strides = [1, 1]} : vector<256x8192xf32> to vector<256x128xf32>
      %eq3A_1053 = arith.cmpf oeq, %slice3A_1052, %min3A_842 : vector<256x128xf32>
      %jit3A_1054 = arith.constant 22 : i32
      %broadcast_in_dim3A_1055 = vector.broadcast %jit3A_1054 : i32 to vector<256x128xi32>
      %select_n3A_1056 = arith.select %eq3A_1053, %broadcast_in_dim3A_1055, %select_n3A_1051 : vector<256x128xi1>, vector<256x128xi32>
      %slice3A_1057 = vector.extract_strided_slice %get3A_845 {offsets = [0, 2688], sizes = [256, 128], strides = [1, 1]} : vector<256x8192xf32> to vector<256x128xf32>
      %eq3A_1058 = arith.cmpf oeq, %slice3A_1057, %min3A_842 : vector<256x128xf32>
      %jit3A_1059 = arith.constant 21 : i32
      %broadcast_in_dim3A_1060 = vector.broadcast %jit3A_1059 : i32 to vector<256x128xi32>
      %select_n3A_1061 = arith.select %eq3A_1058, %broadcast_in_dim3A_1060, %select_n3A_1056 : vector<256x128xi1>, vector<256x128xi32>
      %slice3A_1062 = vector.extract_strided_slice %get3A_845 {offsets = [0, 2560], sizes = [256, 128], strides = [1, 1]} : vector<256x8192xf32> to vector<256x128xf32>
      %eq3A_1063 = arith.cmpf oeq, %slice3A_1062, %min3A_842 : vector<256x128xf32>
      %jit3A_1064 = arith.constant 20 : i32
      %broadcast_in_dim3A_1065 = vector.broadcast %jit3A_1064 : i32 to vector<256x128xi32>
      %select_n3A_1066 = arith.select %eq3A_1063, %broadcast_in_dim3A_1065, %select_n3A_1061 : vector<256x128xi1>, vector<256x128xi32>
      %slice3A_1067 = vector.extract_strided_slice %get3A_845 {offsets = [0, 2432], sizes = [256, 128], strides = [1, 1]} : vector<256x8192xf32> to vector<256x128xf32>
      %eq3A_1068 = arith.cmpf oeq, %slice3A_1067, %min3A_842 : vector<256x128xf32>
      %jit3A_1069 = arith.constant 19 : i32
      %broadcast_in_dim3A_1070 = vector.broadcast %jit3A_1069 : i32 to vector<256x128xi32>
      %select_n3A_1071 = arith.select %eq3A_1068, %broadcast_in_dim3A_1070, %select_n3A_1066 : vector<256x128xi1>, vector<256x128xi32>
      %slice3A_1072 = vector.extract_strided_slice %get3A_845 {offsets = [0, 2304], sizes = [256, 128], strides = [1, 1]} : vector<256x8192xf32> to vector<256x128xf32>
      %eq3A_1073 = arith.cmpf oeq, %slice3A_1072, %min3A_842 : vector<256x128xf32>
      %jit3A_1074 = arith.constant 18 : i32
      %broadcast_in_dim3A_1075 = vector.broadcast %jit3A_1074 : i32 to vector<256x128xi32>
      %select_n3A_1076 = arith.select %eq3A_1073, %broadcast_in_dim3A_1075, %select_n3A_1071 : vector<256x128xi1>, vector<256x128xi32>
      %slice3A_1077 = vector.extract_strided_slice %get3A_845 {offsets = [0, 2176], sizes = [256, 128], strides = [1, 1]} : vector<256x8192xf32> to vector<256x128xf32>
      %eq3A_1078 = arith.cmpf oeq, %slice3A_1077, %min3A_842 : vector<256x128xf32>
      %jit3A_1079 = arith.constant 17 : i32
      %broadcast_in_dim3A_1080 = vector.broadcast %jit3A_1079 : i32 to vector<256x128xi32>
      %select_n3A_1081 = arith.select %eq3A_1078, %broadcast_in_dim3A_1080, %select_n3A_1076 : vector<256x128xi1>, vector<256x128xi32>
      %slice3A_1082 = vector.extract_strided_slice %get3A_845 {offsets = [0, 2048], sizes = [256, 128], strides = [1, 1]} : vector<256x8192xf32> to vector<256x128xf32>
      %eq3A_1083 = arith.cmpf oeq, %slice3A_1082, %min3A_842 : vector<256x128xf32>
      %jit3A_1084 = arith.constant 16 : i32
      %broadcast_in_dim3A_1085 = vector.broadcast %jit3A_1084 : i32 to vector<256x128xi32>
      %select_n3A_1086 = arith.select %eq3A_1083, %broadcast_in_dim3A_1085, %select_n3A_1081 : vector<256x128xi1>, vector<256x128xi32>
      %slice3A_1087 = vector.extract_strided_slice %get3A_845 {offsets = [0, 1920], sizes = [256, 128], strides = [1, 1]} : vector<256x8192xf32> to vector<256x128xf32>
      %eq3A_1088 = arith.cmpf oeq, %slice3A_1087, %min3A_842 : vector<256x128xf32>
      %jit3A_1089 = arith.constant 15 : i32
      %broadcast_in_dim3A_1090 = vector.broadcast %jit3A_1089 : i32 to vector<256x128xi32>
      %select_n3A_1091 = arith.select %eq3A_1088, %broadcast_in_dim3A_1090, %select_n3A_1086 : vector<256x128xi1>, vector<256x128xi32>
      %slice3A_1092 = vector.extract_strided_slice %get3A_845 {offsets = [0, 1792], sizes = [256, 128], strides = [1, 1]} : vector<256x8192xf32> to vector<256x128xf32>
      %eq3A_1093 = arith.cmpf oeq, %slice3A_1092, %min3A_842 : vector<256x128xf32>
      %jit3A_1094 = arith.constant 14 : i32
      %broadcast_in_dim3A_1095 = vector.broadcast %jit3A_1094 : i32 to vector<256x128xi32>
      %select_n3A_1096 = arith.select %eq3A_1093, %broadcast_in_dim3A_1095, %select_n3A_1091 : vector<256x128xi1>, vector<256x128xi32>
      %slice3A_1097 = vector.extract_strided_slice %get3A_845 {offsets = [0, 1664], sizes = [256, 128], strides = [1, 1]} : vector<256x8192xf32> to vector<256x128xf32>
      %eq3A_1098 = arith.cmpf oeq, %slice3A_1097, %min3A_842 : vector<256x128xf32>
      %jit3A_1099 = arith.constant 13 : i32
      %broadcast_in_dim3A_1100 = vector.broadcast %jit3A_1099 : i32 to vector<256x128xi32>
      %select_n3A_1101 = arith.select %eq3A_1098, %broadcast_in_dim3A_1100, %select_n3A_1096 : vector<256x128xi1>, vector<256x128xi32>
      %slice3A_1102 = vector.extract_strided_slice %get3A_845 {offsets = [0, 1536], sizes = [256, 128], strides = [1, 1]} : vector<256x8192xf32> to vector<256x128xf32>
      %eq3A_1103 = arith.cmpf oeq, %slice3A_1102, %min3A_842 : vector<256x128xf32>
      %jit3A_1104 = arith.constant 12 : i32
      %broadcast_in_dim3A_1105 = vector.broadcast %jit3A_1104 : i32 to vector<256x128xi32>
      %select_n3A_1106 = arith.select %eq3A_1103, %broadcast_in_dim3A_1105, %select_n3A_1101 : vector<256x128xi1>, vector<256x128xi32>
      %slice3A_1107 = vector.extract_strided_slice %get3A_845 {offsets = [0, 1408], sizes = [256, 128], strides = [1, 1]} : vector<256x8192xf32> to vector<256x128xf32>
      %eq3A_1108 = arith.cmpf oeq, %slice3A_1107, %min3A_842 : vector<256x128xf32>
      %jit3A_1109 = arith.constant 11 : i32
      %broadcast_in_dim3A_1110 = vector.broadcast %jit3A_1109 : i32 to vector<256x128xi32>
      %select_n3A_1111 = arith.select %eq3A_1108, %broadcast_in_dim3A_1110, %select_n3A_1106 : vector<256x128xi1>, vector<256x128xi32>
      %slice3A_1112 = vector.extract_strided_slice %get3A_845 {offsets = [0, 1280], sizes = [256, 128], strides = [1, 1]} : vector<256x8192xf32> to vector<256x128xf32>
      %eq3A_1113 = arith.cmpf oeq, %slice3A_1112, %min3A_842 : vector<256x128xf32>
      %jit3A_1114 = arith.constant 10 : i32
      %broadcast_in_dim3A_1115 = vector.broadcast %jit3A_1114 : i32 to vector<256x128xi32>
      %select_n3A_1116 = arith.select %eq3A_1113, %broadcast_in_dim3A_1115, %select_n3A_1111 : vector<256x128xi1>, vector<256x128xi32>
      %slice3A_1117 = vector.extract_strided_slice %get3A_845 {offsets = [0, 1152], sizes = [256, 128], strides = [1, 1]} : vector<256x8192xf32> to vector<256x128xf32>
      %eq3A_1118 = arith.cmpf oeq, %slice3A_1117, %min3A_842 : vector<256x128xf32>
      %jit3A_1119 = arith.constant 9 : i32
      %broadcast_in_dim3A_1120 = vector.broadcast %jit3A_1119 : i32 to vector<256x128xi32>
      %select_n3A_1121 = arith.select %eq3A_1118, %broadcast_in_dim3A_1120, %select_n3A_1116 : vector<256x128xi1>, vector<256x128xi32>
      %slice3A_1122 = vector.extract_strided_slice %get3A_845 {offsets = [0, 1024], sizes = [256, 128], strides = [1, 1]} : vector<256x8192xf32> to vector<256x128xf32>
      %eq3A_1123 = arith.cmpf oeq, %slice3A_1122, %min3A_842 : vector<256x128xf32>
      %jit3A_1124 = arith.constant 8 : i32
      %broadcast_in_dim3A_1125 = vector.broadcast %jit3A_1124 : i32 to vector<256x128xi32>
      %select_n3A_1126 = arith.select %eq3A_1123, %broadcast_in_dim3A_1125, %select_n3A_1121 : vector<256x128xi1>, vector<256x128xi32>
      %slice3A_1127 = vector.extract_strided_slice %get3A_845 {offsets = [0, 896], sizes = [256, 128], strides = [1, 1]} : vector<256x8192xf32> to vector<256x128xf32>
      %eq3A_1128 = arith.cmpf oeq, %slice3A_1127, %min3A_842 : vector<256x128xf32>
      %jit3A_1129 = arith.constant 7 : i32
      %broadcast_in_dim3A_1130 = vector.broadcast %jit3A_1129 : i32 to vector<256x128xi32>
      %select_n3A_1131 = arith.select %eq3A_1128, %broadcast_in_dim3A_1130, %select_n3A_1126 : vector<256x128xi1>, vector<256x128xi32>
      %slice3A_1132 = vector.extract_strided_slice %get3A_845 {offsets = [0, 768], sizes = [256, 128], strides = [1, 1]} : vector<256x8192xf32> to vector<256x128xf32>
      %eq3A_1133 = arith.cmpf oeq, %slice3A_1132, %min3A_842 : vector<256x128xf32>
      %jit3A_1134 = arith.constant 6 : i32
      %broadcast_in_dim3A_1135 = vector.broadcast %jit3A_1134 : i32 to vector<256x128xi32>
      %select_n3A_1136 = arith.select %eq3A_1133, %broadcast_in_dim3A_1135, %select_n3A_1131 : vector<256x128xi1>, vector<256x128xi32>
      %slice3A_1137 = vector.extract_strided_slice %get3A_845 {offsets = [0, 640], sizes = [256, 128], strides = [1, 1]} : vector<256x8192xf32> to vector<256x128xf32>
      %eq3A_1138 = arith.cmpf oeq, %slice3A_1137, %min3A_842 : vector<256x128xf32>
      %jit3A_1139 = arith.constant 5 : i32
      %broadcast_in_dim3A_1140 = vector.broadcast %jit3A_1139 : i32 to vector<256x128xi32>
      %select_n3A_1141 = arith.select %eq3A_1138, %broadcast_in_dim3A_1140, %select_n3A_1136 : vector<256x128xi1>, vector<256x128xi32>
      %slice3A_1142 = vector.extract_strided_slice %get3A_845 {offsets = [0, 512], sizes = [256, 128], strides = [1, 1]} : vector<256x8192xf32> to vector<256x128xf32>
      %eq3A_1143 = arith.cmpf oeq, %slice3A_1142, %min3A_842 : vector<256x128xf32>
      %jit3A_1144 = arith.constant 4 : i32
      %broadcast_in_dim3A_1145 = vector.broadcast %jit3A_1144 : i32 to vector<256x128xi32>
      %select_n3A_1146 = arith.select %eq3A_1143, %broadcast_in_dim3A_1145, %select_n3A_1141 : vector<256x128xi1>, vector<256x128xi32>
      %slice3A_1147 = vector.extract_strided_slice %get3A_845 {offsets = [0, 384], sizes = [256, 128], strides = [1, 1]} : vector<256x8192xf32> to vector<256x128xf32>
      %eq3A_1148 = arith.cmpf oeq, %slice3A_1147, %min3A_842 : vector<256x128xf32>
      %jit3A_1149 = arith.constant 3 : i32
      %broadcast_in_dim3A_1150 = vector.broadcast %jit3A_1149 : i32 to vector<256x128xi32>
      %select_n3A_1151 = arith.select %eq3A_1148, %broadcast_in_dim3A_1150, %select_n3A_1146 : vector<256x128xi1>, vector<256x128xi32>
      %slice3A_1152 = vector.extract_strided_slice %get3A_845 {offsets = [0, 256], sizes = [256, 128], strides = [1, 1]} : vector<256x8192xf32> to vector<256x128xf32>
      %eq3A_1153 = arith.cmpf oeq, %slice3A_1152, %min3A_842 : vector<256x128xf32>
      %jit3A_1154 = arith.constant 2 : i32
      %broadcast_in_dim3A_1155 = vector.broadcast %jit3A_1154 : i32 to vector<256x128xi32>
      %select_n3A_1156 = arith.select %eq3A_1153, %broadcast_in_dim3A_1155, %select_n3A_1151 : vector<256x128xi1>, vector<256x128xi32>
      %slice3A_1157 = vector.extract_strided_slice %get3A_845 {offsets = [0, 128], sizes = [256, 128], strides = [1, 1]} : vector<256x8192xf32> to vector<256x128xf32>
      %eq3A_1158 = arith.cmpf oeq, %slice3A_1157, %min3A_842 : vector<256x128xf32>
      %jit3A_1159 = arith.constant 1 : i32
      %broadcast_in_dim3A_1160 = vector.broadcast %jit3A_1159 : i32 to vector<256x128xi32>
      %select_n3A_1161 = arith.select %eq3A_1158, %broadcast_in_dim3A_1160, %select_n3A_1156 : vector<256x128xi1>, vector<256x128xi32>
      %slice3A_1162 = vector.extract_strided_slice %get3A_845 {offsets = [0, 0], sizes = [256, 128], strides = [1, 1]} : vector<256x8192xf32> to vector<256x128xf32>
      %eq3A_1163 = arith.cmpf oeq, %slice3A_1162, %min3A_842 : vector<256x128xf32>
      %jit3A_1164 = arith.constant 0 : i32
      %broadcast_in_dim3A_1165 = vector.broadcast %jit3A_1164 : i32 to vector<256x128xi32>
      %select_n3A_1166 = arith.select %eq3A_1163, %broadcast_in_dim3A_1165, %select_n3A_1161 : vector<256x128xi1>, vector<256x128xi32>
      %swap3A_1167 = arith.index_cast %scan3A_75 : i32 to index
      %swap3A_1168 = arith.constant 0 : index
      %swap3A_1169 = arith.constant 0 : index
      %swap3A_1170 = vector.load %arg11[%swap3A_1167, %swap3A_1168, %swap3A_1169] : memref<5x256x128xf32, #tpu.memory_space<vmem>>, vector<1x256x128xf32>
      %swap3A_1171 = vector.shape_cast %swap3A_1170 : vector<1x256x128xf32> to vector<256x128xf32>
      %swap3A_1172 = vector.shape_cast %min3A_842 : vector<256x128xf32> to vector<1x256x128xf32>
      tpu.vector_store %arg11[%swap3A_1167, %swap3A_1168, %swap3A_1169], %swap3A_1172 {strides = array<i32>} : memref<5x256x128xf32, #tpu.memory_space<vmem>>, vector<1x256x128xf32>,
      %mul3A_1173 = arith.constant 128 : i32
      %mul3A_1174 = vector.broadcast %mul3A_1173 : i32 to vector<256x128xi32>
      %mul3A_1175 = arith.muli %select_n3A_1166, %mul3A_1174 : vector<256x128xi32>
      %add3A_1176 = arith.addi %mul3A_1175, %iota3A : vector<256x128xi32>
      %swap3A_1177 = arith.index_cast %scan3A_75 : i32 to index
      %swap3A_1178 = arith.constant 0 : index
      %swap3A_1179 = arith.constant 0 : index
      %swap3A_1180 = vector.load %arg12[%swap3A_1177, %swap3A_1178, %swap3A_1179] : memref<5x256x128xi32, #tpu.memory_space<vmem>>, vector<1x256x128xi32>
      %swap3A_1181 = vector.shape_cast %swap3A_1180 : vector<1x256x128xi32> to vector<256x128xi32>
      %swap3A_1182 = vector.shape_cast %add3A_1176 : vector<256x128xi32> to vector<1x256x128xi32>
      tpu.vector_store %arg12[%swap3A_1177, %swap3A_1178, %swap3A_1179], %swap3A_1182 {strides = array<i32>} : memref<5x256x128xi32, #tpu.memory_space<vmem>>, vector<1x256x128xi32>,
      scf.yield %select_n3A_1166 : vector<256x128xi32>
    }
    %scan3A_42 = arith.constant 5 : i32
    %get3A_43 = arith.constant 0 : index
    %get3A_44 = arith.constant 0 : index
    %get3A_45 = arith.constant 0 : index
    %get3A_46 = vector.load %arg11[%get3A_43, %get3A_44, %get3A_45] : memref<5x256x128xf32, #tpu.memory_space<vmem>>, vector<1x256x128xf32>
    %get3A_47 = vector.shape_cast %get3A_46 : vector<1x256x128xf32> to vector<256x128xf32>
    %get3A_48 = arith.constant 0 : index
    %get3A_49 = arith.constant 0 : index
    %get3A_50 = arith.constant 0 : index
    %get3A_51 = vector.load %arg12[%get3A_48, %get3A_49, %get3A_50] : memref<5x256x128xi32, #tpu.memory_space<vmem>>, vector<1x256x128xi32>
    %get3A_52 = vector.shape_cast %get3A_51 : vector<1x256x128xi32> to vector<256x128xi32>
    %broadcast_in_dim3A_53 = arith.constant 0 : i32
    %broadcast_in_dim3A_54 = vector.broadcast %broadcast_in_dim3A_53 : i32 to vector<256x128xi32>
    %broadcast_in_dim3A_55 = arith.constant 0 : i32
    %broadcast_in_dim3A_56 = vector.broadcast %broadcast_in_dim3A_55 : i32 to vector<256x32xi32>
    %scan3A_57 = arith.constant 8192 : i32
    %scan3A_58 = arith.constant 0x7F800000 : f32
    %scan3A_59 = arith.constant 0 : i32
    %scan3A_60 = arith.constant 20 : i32
    %scan3A_61 = arith.addi %scan3A_59, %scan3A_60 : i32
    %scan3A_62 = arith.constant 1 : i32
    %scan3A_63:4 = scf.for %scan3A_75 = %scan3A_59 to %scan3A_61 step %scan3A_62 iter_args(%scan3A_76 = %get3A_47, %scan3A_77 = %get3A_52, %scan3A_78 = %broadcast_in_dim3A_54, %scan3A_79 = %broadcast_in_dim3A_56) -> (vector<256x128xf32>, vector<256x128xi32>, vector<256x128xi32>, vector<256x32xi32>)  : i32 {
      %reduce_min3A = arith.constant dense<0x7F800000> : vector<256xf32>
      %reduce_min3A_80 = vector.multi_reduction <minimumf>, %scan3A_76, %reduce_min3A [1] : vector<256x128xf32> to vector<256xf32>
      %broadcast_in_dim3A_81 = vector.shape_cast %reduce_min3A_80 : vector<256xf32> to vector<256x1xf32>
      %eq3A = vector.broadcast %broadcast_in_dim3A_81 : vector<256x1xf32> to vector<256x128xf32>
      %eq3A_82 = arith.cmpf oeq, %scan3A_76, %eq3A : vector<256x128xf32>
      %broadcast_in_dim3A_83 = vector.broadcast %scan3A_57 : i32 to vector<256x128xi32>
      %select_n3A = arith.select %eq3A_82, %scan3A_77, %broadcast_in_dim3A_83 : vector<256x128xi1>, vector<256x128xi32>
      %reduce_min3A_84 = arith.constant dense<2147483647> : vector<256xi32>
      %reduce_min3A_85 = vector.multi_reduction <minsi>, %select_n3A, %reduce_min3A_84 [1] : vector<256x128xi32> to vector<256xi32>
      %broadcast_in_dim3A_86 = vector.shape_cast %reduce_min3A_85 : vector<256xi32> to vector<256x1xi32>
      %eq3A_87 = vector.broadcast %broadcast_in_dim3A_86 : vector<256x1xi32> to vector<256x128xi32>
      %eq3A_88 = arith.cmpi eq, %scan3A_77, %eq3A_87 : vector<256x128xi32>
      %and3A = arith.andi %eq3A_82, %eq3A_88 : vector<256x128xi1>
      %convert_element_type3A_89 = arith.extui %and3A : vector<256x128xi1> to vector<256x128xi32>
      %add3A_90 = arith.addi %scan3A_78, %convert_element_type3A_89 : vector<256x128xi32>
      %broadcast_in_dim3A_91 = vector.broadcast %scan3A_58 : f32 to vector<256x128xf32>
      %broadcast_in_dim3A_92 = vector.broadcast %scan3A_57 : i32 to vector<256x128xi32>
      %eq3A_93 = arith.constant 0 : i32
      %eq3A_94 = vector.broadcast %eq3A_93 : i32 to vector<256x128xi32>
      %eq3A_95 = arith.cmpi eq, %add3A_90, %eq3A_94 : vector<256x128xi32>
      %get3A_96 = arith.constant 0 : index
      %get3A_97 = arith.constant 0 : index
      %get3A_98 = arith.constant 0 : index
      %get3A_99 = vector.load %arg11[%get3A_96, %get3A_97, %get3A_98] : memref<5x256x128xf32, #tpu.memory_space<vmem>>, vector<1x256x128xf32>
      %get3A_100 = vector.shape_cast %get3A_99 : vector<1x256x128xf32> to vector<256x128xf32>
      %select_n3A_101 = arith.select %eq3A_95, %get3A_100, %broadcast_in_dim3A_91 : vector<256x128xi1>, vector<256x128xf32>
      %get3A_102 = arith.constant 0 : index
      %get3A_103 = arith.constant 0 : index
      %get3A_104 = arith.constant 0 : index
      %get3A_105 = vector.load %arg12[%get3A_102, %get3A_103, %get3A_104] : memref<5x256x128xi32, #tpu.memory_space<vmem>>, vector<1x256x128xi32>
      %get3A_106 = vector.shape_cast %get3A_105 : vector<1x256x128xi32> to vector<256x128xi32>
      %select_n3A_107 = arith.select %eq3A_95, %get3A_106, %broadcast_in_dim3A_92 : vector<256x128xi1>, vector<256x128xi32>
      %eq3A_108 = arith.constant 1 : i32
      %eq3A_109 = vector.broadcast %eq3A_108 : i32 to vector<256x128xi32>
      %eq3A_110 = arith.cmpi eq, %add3A_90, %eq3A_109 : vector<256x128xi32>
      %get3A_111 = arith.constant 1 : index
      %get3A_112 = arith.constant 0 : index
      %get3A_113 = arith.constant 0 : index
      %get3A_114 = vector.load %arg11[%get3A_111, %get3A_112, %get3A_113] : memref<5x256x128xf32, #tpu.memory_space<vmem>>, vector<1x256x128xf32>
      %get3A_115 = vector.shape_cast %get3A_114 : vector<1x256x128xf32> to vector<256x128xf32>
      %select_n3A_116 = arith.select %eq3A_110, %get3A_115, %select_n3A_101 : vector<256x128xi1>, vector<256x128xf32>
      %get3A_117 = arith.constant 1 : index
      %get3A_118 = arith.constant 0 : index
      %get3A_119 = arith.constant 0 : index
      %get3A_120 = vector.load %arg12[%get3A_117, %get3A_118, %get3A_119] : memref<5x256x128xi32, #tpu.memory_space<vmem>>, vector<1x256x128xi32>
      %get3A_121 = vector.shape_cast %get3A_120 : vector<1x256x128xi32> to vector<256x128xi32>
      %select_n3A_122 = arith.select %eq3A_110, %get3A_121, %select_n3A_107 : vector<256x128xi1>, vector<256x128xi32>
      %eq3A_123 = arith.constant 2 : i32
      %eq3A_124 = vector.broadcast %eq3A_123 : i32 to vector<256x128xi32>
      %eq3A_125 = arith.cmpi eq, %add3A_90, %eq3A_124 : vector<256x128xi32>
      %get3A_126 = arith.constant 2 : index
      %get3A_127 = arith.constant 0 : index
      %get3A_128 = arith.constant 0 : index
      %get3A_129 = vector.load %arg11[%get3A_126, %get3A_127, %get3A_128] : memref<5x256x128xf32, #tpu.memory_space<vmem>>, vector<1x256x128xf32>
      %get3A_130 = vector.shape_cast %get3A_129 : vector<1x256x128xf32> to vector<256x128xf32>
      %select_n3A_131 = arith.select %eq3A_125, %get3A_130, %select_n3A_116 : vector<256x128xi1>, vector<256x128xf32>
      %get3A_132 = arith.constant 2 : index
      %get3A_133 = arith.constant 0 : index
      %get3A_134 = arith.constant 0 : index
      %get3A_135 = vector.load %arg12[%get3A_132, %get3A_133, %get3A_134] : memref<5x256x128xi32, #tpu.memory_space<vmem>>, vector<1x256x128xi32>
      %get3A_136 = vector.shape_cast %get3A_135 : vector<1x256x128xi32> to vector<256x128xi32>
      %select_n3A_137 = arith.select %eq3A_125, %get3A_136, %select_n3A_122 : vector<256x128xi1>, vector<256x128xi32>
      %eq3A_138 = arith.constant 3 : i32
      %eq3A_139 = vector.broadcast %eq3A_138 : i32 to vector<256x128xi32>
      %eq3A_140 = arith.cmpi eq, %add3A_90, %eq3A_139 : vector<256x128xi32>
      %get3A_141 = arith.constant 3 : index
      %get3A_142 = arith.constant 0 : index
      %get3A_143 = arith.constant 0 : index
      %get3A_144 = vector.load %arg11[%get3A_141, %get3A_142, %get3A_143] : memref<5x256x128xf32, #tpu.memory_space<vmem>>, vector<1x256x128xf32>
      %get3A_145 = vector.shape_cast %get3A_144 : vector<1x256x128xf32> to vector<256x128xf32>
      %select_n3A_146 = arith.select %eq3A_140, %get3A_145, %select_n3A_131 : vector<256x128xi1>, vector<256x128xf32>
      %get3A_147 = arith.constant 3 : index
      %get3A_148 = arith.constant 0 : index
      %get3A_149 = arith.constant 0 : index
      %get3A_150 = vector.load %arg12[%get3A_147, %get3A_148, %get3A_149] : memref<5x256x128xi32, #tpu.memory_space<vmem>>, vector<1x256x128xi32>
      %get3A_151 = vector.shape_cast %get3A_150 : vector<1x256x128xi32> to vector<256x128xi32>
      %select_n3A_152 = arith.select %eq3A_140, %get3A_151, %select_n3A_137 : vector<256x128xi1>, vector<256x128xi32>
      %eq3A_153 = arith.constant 4 : i32
      %eq3A_154 = vector.broadcast %eq3A_153 : i32 to vector<256x128xi32>
      %eq3A_155 = arith.cmpi eq, %add3A_90, %eq3A_154 : vector<256x128xi32>
      %get3A_156 = arith.constant 4 : index
      %get3A_157 = arith.constant 0 : index
      %get3A_158 = arith.constant 0 : index
      %get3A_159 = vector.load %arg11[%get3A_156, %get3A_157, %get3A_158] : memref<5x256x128xf32, #tpu.memory_space<vmem>>, vector<1x256x128xf32>
      %get3A_160 = vector.shape_cast %get3A_159 : vector<1x256x128xf32> to vector<256x128xf32>
      %select_n3A_161 = arith.select %eq3A_155, %get3A_160, %select_n3A_146 : vector<256x128xi1>, vector<256x128xf32>
      %get3A_162 = arith.constant 4 : index
      %get3A_163 = arith.constant 0 : index
      %get3A_164 = arith.constant 0 : index
      %get3A_165 = vector.load %arg12[%get3A_162, %get3A_163, %get3A_164] : memref<5x256x128xi32, #tpu.memory_space<vmem>>, vector<1x256x128xi32>
      %get3A_166 = vector.shape_cast %get3A_165 : vector<1x256x128xi32> to vector<256x128xi32>
      %select_n3A_167 = arith.select %eq3A_155, %get3A_166, %select_n3A_152 : vector<256x128xi1>, vector<256x128xi32>
      %eq3A_168 = vector.broadcast %scan3A_75 : i32 to vector<256x32xi32>
      %eq3A_169 = arith.cmpi eq, %iota3A_34, %eq3A_168 : vector<256x32xi32>
      %broadcast_in_dim3A_170 = vector.shape_cast %broadcast_in_dim3A_86 : vector<256x1xi32> to vector<256x1xi32>
      %broadcast_in_dim3A_171 = vector.broadcast %broadcast_in_dim3A_170 : vector<256x1xi32> to vector<256x32xi32>
      %select_n3A_172 = arith.select %eq3A_169, %broadcast_in_dim3A_171, %scan3A_79 : vector<256x32xi1>, vector<256x32xi32>
      scf.yield %select_n3A_161, %select_n3A_167, %add3A_90, %select_n3A_172 : vector<256x128xf32>, vector<256x128xi32>, vector<256x128xi32>, vector<256x32xi32>
    }
    %scan3A_64 = arith.constant 20 : i32
    %slice3A = vector.extract_strided_slice %scan3A_63#3 {offsets = [0, 0], sizes = [256, 20], strides = [1, 1]} : vector<256x32xi32> to vector<256x20xi32>
    %swap3A_65 = arith.constant 0 : index
    %swap3A_66 = arith.constant 0 : index
    %swap3A_67 = vector.load %arg7[%swap3A_65, %swap3A_66] : memref<256x20xi32, #tpu.memory_space<vmem>>, vector<256x20xi32>
    tpu.vector_store %arg7[%swap3A_65, %swap3A_66], %slice3A {strides = array<i32>} : memref<256x20xi32, #tpu.memory_space<vmem>>, vector<256x20xi32>,
    %reduce_max3A = vector.shape_cast %scan3A_63#2 : vector<256x128xi32> to vector<1x256x128xi32>
    %reduce_max3A_68 = arith.constant dense<-2147483648> : vector<1xi32>
    %reduce_max3A_69 = vector.multi_reduction <maxsi>, %reduce_max3A, %reduce_max3A_68 [1, 2] : vector<1x256x128xi32> to vector<1xi32>
    %reduce_max3A_70 = vector.shape_cast %reduce_max3A_69 : vector<1xi32> to vector<1x1x1xi32>
    %reduce_max3A_71 = vector.extract %reduce_max3A_70[0, 0, 0] : i32 from vector<1x1x1xi32>
    %ge3A = arith.constant 5 : i32
    %ge3A_72 = arith.cmpi sge, %reduce_max3A_71, %ge3A : i32
    %convert_element_type3A = arith.extui %ge3A_72 : i1 to i32
    %cond3A = arith.constant 0x7F800000 : f32
    %cond3A_73 = arith.constant 0 : i32
    %cond3A_74 = arith.cmpi ne, %convert_element_type3A, %cond3A_73 : i32
    scf.if %cond3A_74 {
      %dot_general3A_75 = arith.constant dense<0.000000e+00> : vector<256x8192xf32>
      %dot_general3A_76 = tpu.matmul %get3A_5, %get3A_1, %dot_general3A_75 {dimension_numbers = #tpu.dot_dimension_numbers<[1], [0], [0], [1], [0, 0, 1, 1], [], []>, transpose_lhs_hint = false} : vector<256x8xf32>, vector<8x8192xf32>, vector<256x8192xf32> -> vector<256x8192xf32>
      %add3A_77 = vector.broadcast %broadcast_in_dim3A : vector<1x8192xf32> to vector<256x8192xf32>
      %add3A_78 = arith.addf %add3A_77, %dot_general3A_76 : vector<256x8192xf32>
      %swap3A_79 = arith.constant 0 : index
      %swap3A_80 = arith.constant 0 : index
      %swap3A_81 = vector.load %arg10[%swap3A_79, %swap3A_80] : memref<256x8192xf32, #tpu.memory_space<vmem>>, vector<256x8192xf32>
      tpu.vector_store %arg10[%swap3A_79, %swap3A_80], %add3A_78 {strides = array<i32>} : memref<256x8192xf32, #tpu.memory_space<vmem>>, vector<256x8192xf32>,
      %iota3A_82 = tpu.iota {dimensions = array<i32: 1>} : vector<256x8192xi32>
      %broadcast_in_dim3A_83 = arith.constant 0 : i32
      %broadcast_in_dim3A_84 = vector.broadcast %broadcast_in_dim3A_83 : i32 to vector<256x32xi32>
      %scan3A_85 = arith.constant 0 : i32
      %scan3A_86 = arith.constant 20 : i32
      %scan3A_87 = arith.addi %scan3A_85, %scan3A_86 : i32
      %scan3A_88 = arith.constant 1 : i32
      %scan3A_89 = scf.for %scan3A_95 = %scan3A_85 to %scan3A_87 step %scan3A_88 iter_args(%scan3A_96 = %broadcast_in_dim3A_84) -> (vector<256x32xi32>)  : i32 {
        %get3A_97 = arith.constant 0 : index
        %get3A_98 = arith.constant 0 : index
        %get3A_99 = vector.load %arg10[%get3A_97, %get3A_98] : memref<256x8192xf32, #tpu.memory_space<vmem>>, vector<256x8192xf32>
        %reduce_min3A = arith.constant dense<0x7F800000> : vector<256xf32>
        %reduce_min3A_100 = vector.multi_reduction <minimumf>, %get3A_99, %reduce_min3A [1] : vector<256x8192xf32> to vector<256xf32>
        %broadcast_in_dim3A_101 = vector.shape_cast %reduce_min3A_100 : vector<256xf32> to vector<256x1xf32>
        %eq3A = vector.broadcast %broadcast_in_dim3A_101 : vector<256x1xf32> to vector<256x8192xf32>
        %eq3A_102 = arith.cmpf oeq, %get3A_99, %eq3A : vector<256x8192xf32>
        %jit3A = arith.constant 8192 : i32
        %broadcast_in_dim3A_103 = vector.broadcast %jit3A : i32 to vector<256x8192xi32>
        %select_n3A = arith.select %eq3A_102, %iota3A_82, %broadcast_in_dim3A_103 : vector<256x8192xi1>, vector<256x8192xi32>
        %reduce_min3A_104 = arith.constant dense<2147483647> : vector<256xi32>
        %reduce_min3A_105 = vector.multi_reduction <minsi>, %select_n3A, %reduce_min3A_104 [1] : vector<256x8192xi32> to vector<256xi32>
        %broadcast_in_dim3A_106 = vector.shape_cast %reduce_min3A_105 : vector<256xi32> to vector<256x1xi32>
        %eq3A_107 = vector.broadcast %broadcast_in_dim3A_106 : vector<256x1xi32> to vector<256x8192xi32>
        %eq3A_108 = arith.cmpi eq, %iota3A_82, %eq3A_107 : vector<256x8192xi32>
        %broadcast_in_dim3A_109 = vector.broadcast %cond3A : f32 to vector<256x8192xf32>
        %select_n3A_110 = arith.select %eq3A_108, %broadcast_in_dim3A_109, %get3A_99 : vector<256x8192xi1>, vector<256x8192xf32>
        %swap3A_111 = arith.constant 0 : index
        %swap3A_112 = arith.constant 0 : index
        %swap3A_113 = vector.load %arg10[%swap3A_111, %swap3A_112] : memref<256x8192xf32, #tpu.memory_space<vmem>>, vector<256x8192xf32>
        tpu.vector_store %arg10[%swap3A_111, %swap3A_112], %select_n3A_110 {strides = array<i32>} : memref<256x8192xf32, #tpu.memory_space<vmem>>, vector<256x8192xf32>,
        %eq3A_114 = vector.broadcast %scan3A_95 : i32 to vector<256x32xi32>
        %eq3A_115 = arith.cmpi eq, %iota3A_34, %eq3A_114 : vector<256x32xi32>
        %broadcast_in_dim3A_116 = vector.shape_cast %broadcast_in_dim3A_106 : vector<256x1xi32> to vector<256x1xi32>
        %broadcast_in_dim3A_117 = vector.broadcast %broadcast_in_dim3A_116 : vector<256x1xi32> to vector<256x32xi32>
        %select_n3A_118 = arith.select %eq3A_115, %broadcast_in_dim3A_117, %scan3A_96 : vector<256x32xi1>, vector<256x32xi32>
        scf.yield %select_n3A_118 : vector<256x32xi32>
      }
      %scan3A_90 = arith.constant 20 : i32
      %slice3A_91 = vector.extract_strided_slice %scan3A_89 {offsets = [0, 0], sizes = [256, 20], strides = [1, 1]} : vector<256x32xi32> to vector<256x20xi32>
      %swap3A_92 = arith.constant 0 : index
      %swap3A_93 = arith.constant 0 : index
      %swap3A_94 = vector.load %arg7[%swap3A_92, %swap3A_93] : memref<256x20xi32, #tpu.memory_space<vmem>>, vector<256x20xi32>
      tpu.vector_store %arg7[%swap3A_92, %swap3A_93], %slice3A_91 {strides = array<i32>} : memref<256x20xi32, #tpu.memory_space<vmem>>, vector<256x20xi32>,
    } else {
    }
    return
  }
  func.func @transform_0(%arg0: i32) -> (i32, i32) {
    %c0_i32 = arith.constant 0 : i32
    %c0_i32_0 = arith.constant 0 : i32
    %c0_i32_1 = arith.constant 0 : i32
    return %c0_i32, %c0_i32_0 : i32, i32
  }
  func.func @transform_1(%arg0: i32) -> (i32, i32) {
    %c0_i32 = arith.constant 0 : i32
    %c0_i32_0 = arith.constant 0 : i32
    return %arg0, %c0_i32 : i32, i32
  }
  func.func @transform_2(%arg0: i32) -> (i32, i32) {
    %c0_i32 = arith.constant 0 : i32
    %c0_i32_0 = arith.constant 0 : i32
    return %arg0, %c0_i32 : i32, i32
  }
  func.func @transform_3(%arg0: i32) -> (i32, i32) {
    %c0_i32 = arith.constant 0 : i32
    %c0_i32_0 = arith.constant 0 : i32
    %c0_i32_1 = arith.constant 0 : i32
    return %c0_i32, %c0_i32_0 : i32, i32
  }
  func.func @transform_4(%arg0: i32) -> (i32, i32) {
    %c0_i32 = arith.constant 0 : i32
    %c0_i32_0 = arith.constant 0 : i32
    %c0_i32_1 = arith.constant 0 : i32
    return %c0_i32, %c0_i32_0 : i32, i32
  }
  func.func @transform_5(%arg0: i32) -> (i32, i32) {
    %c0_i32 = arith.constant 0 : i32
    %c0_i32_0 = arith.constant 0 : i32
    %c0_i32_1 = arith.constant 0 : i32
    return %c0_i32, %c0_i32_0 : i32, i32
  }
  func.func @transform_6(%arg0: i32) -> (i32, i32) {
    %c0_i32 = arith.constant 0 : i32
    %c0_i32_0 = arith.constant 0 : i32
    return %arg0, %c0_i32 : i32, i32
  }
  func.func @transform_7(%arg0: i32) -> (i32, i32) {
    %c0_i32 = arith.constant 0 : i32
    %c0_i32_0 = arith.constant 0 : i32
    return %arg0, %c0_i32 : i32, i32
  }
  func.func @transform_8(%arg0: i32) -> (i32, i32) {
    %c0_i32 = arith.constant 0 : i32
    %c0_i32_0 = arith.constant 0 : i32
    return %arg0, %c0_i32 : i32, i32
  }
}

module attributes {stable_mosaic.version = 14 : i64} {
  func.func @_mlp_body(%arg0: i32, %arg1: memref<20x512x128xf32, #tpu.memory_space<vmem>>, %arg2: memref<512x64xf32, #tpu.memory_space<vmem>>, %arg3: memref<64x64xf32, #tpu.memory_space<vmem>>, %arg4: memref<1x64xf32, #tpu.memory_space<vmem>>, %arg5: memref<512x64xf32, #tpu.memory_space<vmem>>) attributes {dimension_semantics = [#tpu.dimension_semantics<arbitrary>], iteration_bounds = array<i64: 16>, scalar_prefetch = 0 : i64, scratch_operands = 0 : i64, tpu.core_type = #tpu.core_type<tc>, window_params = [{transform_indices = @transform_0, window_bounds = array<i64: 20, 512, 128>}, {transform_indices = @transform_1, window_bounds = array<i64: 512, 64>}, {pipeline_mode = #tpu.pipeline_mode<synchronous>, transform_indices = @transform_2, window_bounds = array<i64: 64, 64>}, {pipeline_mode = #tpu.pipeline_mode<synchronous>, transform_indices = @transform_3, window_bounds = array<i64: 1, 64>}, {transform_indices = @transform_4, window_bounds = array<i64: 512, 64>}]} {
    %get3A = arith.constant 0 : index
    %get3A_0 = arith.constant 0 : index
    %get3A_1 = vector.load %arg2[%get3A, %get3A_0] : memref<512x64xf32, #tpu.memory_space<vmem>>, vector<512x64xf32>
    %get3A_2 = arith.constant 0 : index
    %get3A_3 = arith.constant 0 : index
    %get3A_4 = vector.load %arg3[%get3A_2, %get3A_3] : memref<64x64xf32, #tpu.memory_space<vmem>>, vector<64x64xf32>
    %broadcast_in_dim3A = arith.constant 0xFF800000 : f32
    %broadcast_in_dim3A_5 = vector.broadcast %broadcast_in_dim3A : f32 to vector<512x64xf32>
    %get3A_6 = arith.constant 0 : index
    %get3A_7 = arith.constant 0 : index
    %get3A_8 = arith.constant 0 : index
    %get3A_9 = vector.load %arg1[%get3A_6, %get3A_7, %get3A_8] : memref<20x512x128xf32, #tpu.memory_space<vmem>>, vector<1x512x64xf32>
    %get3A_10 = vector.shape_cast %get3A_9 : vector<1x512x64xf32> to vector<512x64xf32>
    %add3A = arith.addf %get3A_10, %get3A_1 : vector<512x64xf32>
    %max3A = arith.constant 0.000000e+00 : f32
    %max3A_11 = vector.broadcast %max3A : f32 to vector<512x64xf32>
    %max3A_12 = arith.maximumf %add3A, %max3A_11 : vector<512x64xf32>
    %dot_general3A = arith.constant dense<0.000000e+00> : vector<512x64xf32>
    %dot_general3A_13 = tpu.matmul %max3A_12, %get3A_4, %dot_general3A {dimension_numbers = #tpu.dot_dimension_numbers<[1], [0], [0], [1], [0, 0, 1, 1], [], []>, transpose_lhs_hint = false} : vector<512x64xf32>, vector<64x64xf32>, vector<512x64xf32> -> vector<512x64xf32>
    %max3A_14 = arith.maximumf %broadcast_in_dim3A_5, %dot_general3A_13 : vector<512x64xf32>
    %get3A_15 = arith.constant 1 : index
    %get3A_16 = arith.constant 0 : index
    %get3A_17 = arith.constant 0 : index
    %get3A_18 = vector.load %arg1[%get3A_15, %get3A_16, %get3A_17] : memref<20x512x128xf32, #tpu.memory_space<vmem>>, vector<1x512x64xf32>
    %get3A_19 = vector.shape_cast %get3A_18 : vector<1x512x64xf32> to vector<512x64xf32>
    %add3A_20 = arith.addf %get3A_19, %get3A_1 : vector<512x64xf32>
    %max3A_21 = arith.constant 0.000000e+00 : f32
    %max3A_22 = vector.broadcast %max3A_21 : f32 to vector<512x64xf32>
    %max3A_23 = arith.maximumf %add3A_20, %max3A_22 : vector<512x64xf32>
    %dot_general3A_24 = arith.constant dense<0.000000e+00> : vector<512x64xf32>
    %dot_general3A_25 = tpu.matmul %max3A_23, %get3A_4, %dot_general3A_24 {dimension_numbers = #tpu.dot_dimension_numbers<[1], [0], [0], [1], [0, 0, 1, 1], [], []>, transpose_lhs_hint = false} : vector<512x64xf32>, vector<64x64xf32>, vector<512x64xf32> -> vector<512x64xf32>
    %max3A_26 = arith.maximumf %max3A_14, %dot_general3A_25 : vector<512x64xf32>
    %get3A_27 = arith.constant 2 : index
    %get3A_28 = arith.constant 0 : index
    %get3A_29 = arith.constant 0 : index
    %get3A_30 = vector.load %arg1[%get3A_27, %get3A_28, %get3A_29] : memref<20x512x128xf32, #tpu.memory_space<vmem>>, vector<1x512x64xf32>
    %get3A_31 = vector.shape_cast %get3A_30 : vector<1x512x64xf32> to vector<512x64xf32>
    %add3A_32 = arith.addf %get3A_31, %get3A_1 : vector<512x64xf32>
    %max3A_33 = arith.constant 0.000000e+00 : f32
    %max3A_34 = vector.broadcast %max3A_33 : f32 to vector<512x64xf32>
    %max3A_35 = arith.maximumf %add3A_32, %max3A_34 : vector<512x64xf32>
    %dot_general3A_36 = arith.constant dense<0.000000e+00> : vector<512x64xf32>
    %dot_general3A_37 = tpu.matmul %max3A_35, %get3A_4, %dot_general3A_36 {dimension_numbers = #tpu.dot_dimension_numbers<[1], [0], [0], [1], [0, 0, 1, 1], [], []>, transpose_lhs_hint = false} : vector<512x64xf32>, vector<64x64xf32>, vector<512x64xf32> -> vector<512x64xf32>
    %max3A_38 = arith.maximumf %max3A_26, %dot_general3A_37 : vector<512x64xf32>
    %get3A_39 = arith.constant 3 : index
    %get3A_40 = arith.constant 0 : index
    %get3A_41 = arith.constant 0 : index
    %get3A_42 = vector.load %arg1[%get3A_39, %get3A_40, %get3A_41] : memref<20x512x128xf32, #tpu.memory_space<vmem>>, vector<1x512x64xf32>
    %get3A_43 = vector.shape_cast %get3A_42 : vector<1x512x64xf32> to vector<512x64xf32>
    %add3A_44 = arith.addf %get3A_43, %get3A_1 : vector<512x64xf32>
    %max3A_45 = arith.constant 0.000000e+00 : f32
    %max3A_46 = vector.broadcast %max3A_45 : f32 to vector<512x64xf32>
    %max3A_47 = arith.maximumf %add3A_44, %max3A_46 : vector<512x64xf32>
    %dot_general3A_48 = arith.constant dense<0.000000e+00> : vector<512x64xf32>
    %dot_general3A_49 = tpu.matmul %max3A_47, %get3A_4, %dot_general3A_48 {dimension_numbers = #tpu.dot_dimension_numbers<[1], [0], [0], [1], [0, 0, 1, 1], [], []>, transpose_lhs_hint = false} : vector<512x64xf32>, vector<64x64xf32>, vector<512x64xf32> -> vector<512x64xf32>
    %max3A_50 = arith.maximumf %max3A_38, %dot_general3A_49 : vector<512x64xf32>
    %get3A_51 = arith.constant 4 : index
    %get3A_52 = arith.constant 0 : index
    %get3A_53 = arith.constant 0 : index
    %get3A_54 = vector.load %arg1[%get3A_51, %get3A_52, %get3A_53] : memref<20x512x128xf32, #tpu.memory_space<vmem>>, vector<1x512x64xf32>
    %get3A_55 = vector.shape_cast %get3A_54 : vector<1x512x64xf32> to vector<512x64xf32>
    %add3A_56 = arith.addf %get3A_55, %get3A_1 : vector<512x64xf32>
    %max3A_57 = arith.constant 0.000000e+00 : f32
    %max3A_58 = vector.broadcast %max3A_57 : f32 to vector<512x64xf32>
    %max3A_59 = arith.maximumf %add3A_56, %max3A_58 : vector<512x64xf32>
    %dot_general3A_60 = arith.constant dense<0.000000e+00> : vector<512x64xf32>
    %dot_general3A_61 = tpu.matmul %max3A_59, %get3A_4, %dot_general3A_60 {dimension_numbers = #tpu.dot_dimension_numbers<[1], [0], [0], [1], [0, 0, 1, 1], [], []>, transpose_lhs_hint = false} : vector<512x64xf32>, vector<64x64xf32>, vector<512x64xf32> -> vector<512x64xf32>
    %max3A_62 = arith.maximumf %max3A_50, %dot_general3A_61 : vector<512x64xf32>
    %get3A_63 = arith.constant 5 : index
    %get3A_64 = arith.constant 0 : index
    %get3A_65 = arith.constant 0 : index
    %get3A_66 = vector.load %arg1[%get3A_63, %get3A_64, %get3A_65] : memref<20x512x128xf32, #tpu.memory_space<vmem>>, vector<1x512x64xf32>
    %get3A_67 = vector.shape_cast %get3A_66 : vector<1x512x64xf32> to vector<512x64xf32>
    %add3A_68 = arith.addf %get3A_67, %get3A_1 : vector<512x64xf32>
    %max3A_69 = arith.constant 0.000000e+00 : f32
    %max3A_70 = vector.broadcast %max3A_69 : f32 to vector<512x64xf32>
    %max3A_71 = arith.maximumf %add3A_68, %max3A_70 : vector<512x64xf32>
    %dot_general3A_72 = arith.constant dense<0.000000e+00> : vector<512x64xf32>
    %dot_general3A_73 = tpu.matmul %max3A_71, %get3A_4, %dot_general3A_72 {dimension_numbers = #tpu.dot_dimension_numbers<[1], [0], [0], [1], [0, 0, 1, 1], [], []>, transpose_lhs_hint = false} : vector<512x64xf32>, vector<64x64xf32>, vector<512x64xf32> -> vector<512x64xf32>
    %max3A_74 = arith.maximumf %max3A_62, %dot_general3A_73 : vector<512x64xf32>
    %get3A_75 = arith.constant 6 : index
    %get3A_76 = arith.constant 0 : index
    %get3A_77 = arith.constant 0 : index
    %get3A_78 = vector.load %arg1[%get3A_75, %get3A_76, %get3A_77] : memref<20x512x128xf32, #tpu.memory_space<vmem>>, vector<1x512x64xf32>
    %get3A_79 = vector.shape_cast %get3A_78 : vector<1x512x64xf32> to vector<512x64xf32>
    %add3A_80 = arith.addf %get3A_79, %get3A_1 : vector<512x64xf32>
    %max3A_81 = arith.constant 0.000000e+00 : f32
    %max3A_82 = vector.broadcast %max3A_81 : f32 to vector<512x64xf32>
    %max3A_83 = arith.maximumf %add3A_80, %max3A_82 : vector<512x64xf32>
    %dot_general3A_84 = arith.constant dense<0.000000e+00> : vector<512x64xf32>
    %dot_general3A_85 = tpu.matmul %max3A_83, %get3A_4, %dot_general3A_84 {dimension_numbers = #tpu.dot_dimension_numbers<[1], [0], [0], [1], [0, 0, 1, 1], [], []>, transpose_lhs_hint = false} : vector<512x64xf32>, vector<64x64xf32>, vector<512x64xf32> -> vector<512x64xf32>
    %max3A_86 = arith.maximumf %max3A_74, %dot_general3A_85 : vector<512x64xf32>
    %get3A_87 = arith.constant 7 : index
    %get3A_88 = arith.constant 0 : index
    %get3A_89 = arith.constant 0 : index
    %get3A_90 = vector.load %arg1[%get3A_87, %get3A_88, %get3A_89] : memref<20x512x128xf32, #tpu.memory_space<vmem>>, vector<1x512x64xf32>
    %get3A_91 = vector.shape_cast %get3A_90 : vector<1x512x64xf32> to vector<512x64xf32>
    %add3A_92 = arith.addf %get3A_91, %get3A_1 : vector<512x64xf32>
    %max3A_93 = arith.constant 0.000000e+00 : f32
    %max3A_94 = vector.broadcast %max3A_93 : f32 to vector<512x64xf32>
    %max3A_95 = arith.maximumf %add3A_92, %max3A_94 : vector<512x64xf32>
    %dot_general3A_96 = arith.constant dense<0.000000e+00> : vector<512x64xf32>
    %dot_general3A_97 = tpu.matmul %max3A_95, %get3A_4, %dot_general3A_96 {dimension_numbers = #tpu.dot_dimension_numbers<[1], [0], [0], [1], [0, 0, 1, 1], [], []>, transpose_lhs_hint = false} : vector<512x64xf32>, vector<64x64xf32>, vector<512x64xf32> -> vector<512x64xf32>
    %max3A_98 = arith.maximumf %max3A_86, %dot_general3A_97 : vector<512x64xf32>
    %get3A_99 = arith.constant 8 : index
    %get3A_100 = arith.constant 0 : index
    %get3A_101 = arith.constant 0 : index
    %get3A_102 = vector.load %arg1[%get3A_99, %get3A_100, %get3A_101] : memref<20x512x128xf32, #tpu.memory_space<vmem>>, vector<1x512x64xf32>
    %get3A_103 = vector.shape_cast %get3A_102 : vector<1x512x64xf32> to vector<512x64xf32>
    %add3A_104 = arith.addf %get3A_103, %get3A_1 : vector<512x64xf32>
    %max3A_105 = arith.constant 0.000000e+00 : f32
    %max3A_106 = vector.broadcast %max3A_105 : f32 to vector<512x64xf32>
    %max3A_107 = arith.maximumf %add3A_104, %max3A_106 : vector<512x64xf32>
    %dot_general3A_108 = arith.constant dense<0.000000e+00> : vector<512x64xf32>
    %dot_general3A_109 = tpu.matmul %max3A_107, %get3A_4, %dot_general3A_108 {dimension_numbers = #tpu.dot_dimension_numbers<[1], [0], [0], [1], [0, 0, 1, 1], [], []>, transpose_lhs_hint = false} : vector<512x64xf32>, vector<64x64xf32>, vector<512x64xf32> -> vector<512x64xf32>
    %max3A_110 = arith.maximumf %max3A_98, %dot_general3A_109 : vector<512x64xf32>
    %get3A_111 = arith.constant 9 : index
    %get3A_112 = arith.constant 0 : index
    %get3A_113 = arith.constant 0 : index
    %get3A_114 = vector.load %arg1[%get3A_111, %get3A_112, %get3A_113] : memref<20x512x128xf32, #tpu.memory_space<vmem>>, vector<1x512x64xf32>
    %get3A_115 = vector.shape_cast %get3A_114 : vector<1x512x64xf32> to vector<512x64xf32>
    %add3A_116 = arith.addf %get3A_115, %get3A_1 : vector<512x64xf32>
    %max3A_117 = arith.constant 0.000000e+00 : f32
    %max3A_118 = vector.broadcast %max3A_117 : f32 to vector<512x64xf32>
    %max3A_119 = arith.maximumf %add3A_116, %max3A_118 : vector<512x64xf32>
    %dot_general3A_120 = arith.constant dense<0.000000e+00> : vector<512x64xf32>
    %dot_general3A_121 = tpu.matmul %max3A_119, %get3A_4, %dot_general3A_120 {dimension_numbers = #tpu.dot_dimension_numbers<[1], [0], [0], [1], [0, 0, 1, 1], [], []>, transpose_lhs_hint = false} : vector<512x64xf32>, vector<64x64xf32>, vector<512x64xf32> -> vector<512x64xf32>
    %max3A_122 = arith.maximumf %max3A_110, %dot_general3A_121 : vector<512x64xf32>
    %get3A_123 = arith.constant 10 : index
    %get3A_124 = arith.constant 0 : index
    %get3A_125 = arith.constant 0 : index
    %get3A_126 = vector.load %arg1[%get3A_123, %get3A_124, %get3A_125] : memref<20x512x128xf32, #tpu.memory_space<vmem>>, vector<1x512x64xf32>
    %get3A_127 = vector.shape_cast %get3A_126 : vector<1x512x64xf32> to vector<512x64xf32>
    %add3A_128 = arith.addf %get3A_127, %get3A_1 : vector<512x64xf32>
    %max3A_129 = arith.constant 0.000000e+00 : f32
    %max3A_130 = vector.broadcast %max3A_129 : f32 to vector<512x64xf32>
    %max3A_131 = arith.maximumf %add3A_128, %max3A_130 : vector<512x64xf32>
    %dot_general3A_132 = arith.constant dense<0.000000e+00> : vector<512x64xf32>
    %dot_general3A_133 = tpu.matmul %max3A_131, %get3A_4, %dot_general3A_132 {dimension_numbers = #tpu.dot_dimension_numbers<[1], [0], [0], [1], [0, 0, 1, 1], [], []>, transpose_lhs_hint = false} : vector<512x64xf32>, vector<64x64xf32>, vector<512x64xf32> -> vector<512x64xf32>
    %max3A_134 = arith.maximumf %max3A_122, %dot_general3A_133 : vector<512x64xf32>
    %get3A_135 = arith.constant 11 : index
    %get3A_136 = arith.constant 0 : index
    %get3A_137 = arith.constant 0 : index
    %get3A_138 = vector.load %arg1[%get3A_135, %get3A_136, %get3A_137] : memref<20x512x128xf32, #tpu.memory_space<vmem>>, vector<1x512x64xf32>
    %get3A_139 = vector.shape_cast %get3A_138 : vector<1x512x64xf32> to vector<512x64xf32>
    %add3A_140 = arith.addf %get3A_139, %get3A_1 : vector<512x64xf32>
    %max3A_141 = arith.constant 0.000000e+00 : f32
    %max3A_142 = vector.broadcast %max3A_141 : f32 to vector<512x64xf32>
    %max3A_143 = arith.maximumf %add3A_140, %max3A_142 : vector<512x64xf32>
    %dot_general3A_144 = arith.constant dense<0.000000e+00> : vector<512x64xf32>
    %dot_general3A_145 = tpu.matmul %max3A_143, %get3A_4, %dot_general3A_144 {dimension_numbers = #tpu.dot_dimension_numbers<[1], [0], [0], [1], [0, 0, 1, 1], [], []>, transpose_lhs_hint = false} : vector<512x64xf32>, vector<64x64xf32>, vector<512x64xf32> -> vector<512x64xf32>
    %max3A_146 = arith.maximumf %max3A_134, %dot_general3A_145 : vector<512x64xf32>
    %get3A_147 = arith.constant 12 : index
    %get3A_148 = arith.constant 0 : index
    %get3A_149 = arith.constant 0 : index
    %get3A_150 = vector.load %arg1[%get3A_147, %get3A_148, %get3A_149] : memref<20x512x128xf32, #tpu.memory_space<vmem>>, vector<1x512x64xf32>
    %get3A_151 = vector.shape_cast %get3A_150 : vector<1x512x64xf32> to vector<512x64xf32>
    %add3A_152 = arith.addf %get3A_151, %get3A_1 : vector<512x64xf32>
    %max3A_153 = arith.constant 0.000000e+00 : f32
    %max3A_154 = vector.broadcast %max3A_153 : f32 to vector<512x64xf32>
    %max3A_155 = arith.maximumf %add3A_152, %max3A_154 : vector<512x64xf32>
    %dot_general3A_156 = arith.constant dense<0.000000e+00> : vector<512x64xf32>
    %dot_general3A_157 = tpu.matmul %max3A_155, %get3A_4, %dot_general3A_156 {dimension_numbers = #tpu.dot_dimension_numbers<[1], [0], [0], [1], [0, 0, 1, 1], [], []>, transpose_lhs_hint = false} : vector<512x64xf32>, vector<64x64xf32>, vector<512x64xf32> -> vector<512x64xf32>
    %max3A_158 = arith.maximumf %max3A_146, %dot_general3A_157 : vector<512x64xf32>
    %get3A_159 = arith.constant 13 : index
    %get3A_160 = arith.constant 0 : index
    %get3A_161 = arith.constant 0 : index
    %get3A_162 = vector.load %arg1[%get3A_159, %get3A_160, %get3A_161] : memref<20x512x128xf32, #tpu.memory_space<vmem>>, vector<1x512x64xf32>
    %get3A_163 = vector.shape_cast %get3A_162 : vector<1x512x64xf32> to vector<512x64xf32>
    %add3A_164 = arith.addf %get3A_163, %get3A_1 : vector<512x64xf32>
    %max3A_165 = arith.constant 0.000000e+00 : f32
    %max3A_166 = vector.broadcast %max3A_165 : f32 to vector<512x64xf32>
    %max3A_167 = arith.maximumf %add3A_164, %max3A_166 : vector<512x64xf32>
    %dot_general3A_168 = arith.constant dense<0.000000e+00> : vector<512x64xf32>
    %dot_general3A_169 = tpu.matmul %max3A_167, %get3A_4, %dot_general3A_168 {dimension_numbers = #tpu.dot_dimension_numbers<[1], [0], [0], [1], [0, 0, 1, 1], [], []>, transpose_lhs_hint = false} : vector<512x64xf32>, vector<64x64xf32>, vector<512x64xf32> -> vector<512x64xf32>
    %max3A_170 = arith.maximumf %max3A_158, %dot_general3A_169 : vector<512x64xf32>
    %get3A_171 = arith.constant 14 : index
    %get3A_172 = arith.constant 0 : index
    %get3A_173 = arith.constant 0 : index
    %get3A_174 = vector.load %arg1[%get3A_171, %get3A_172, %get3A_173] : memref<20x512x128xf32, #tpu.memory_space<vmem>>, vector<1x512x64xf32>
    %get3A_175 = vector.shape_cast %get3A_174 : vector<1x512x64xf32> to vector<512x64xf32>
    %add3A_176 = arith.addf %get3A_175, %get3A_1 : vector<512x64xf32>
    %max3A_177 = arith.constant 0.000000e+00 : f32
    %max3A_178 = vector.broadcast %max3A_177 : f32 to vector<512x64xf32>
    %max3A_179 = arith.maximumf %add3A_176, %max3A_178 : vector<512x64xf32>
    %dot_general3A_180 = arith.constant dense<0.000000e+00> : vector<512x64xf32>
    %dot_general3A_181 = tpu.matmul %max3A_179, %get3A_4, %dot_general3A_180 {dimension_numbers = #tpu.dot_dimension_numbers<[1], [0], [0], [1], [0, 0, 1, 1], [], []>, transpose_lhs_hint = false} : vector<512x64xf32>, vector<64x64xf32>, vector<512x64xf32> -> vector<512x64xf32>
    %max3A_182 = arith.maximumf %max3A_170, %dot_general3A_181 : vector<512x64xf32>
    %get3A_183 = arith.constant 15 : index
    %get3A_184 = arith.constant 0 : index
    %get3A_185 = arith.constant 0 : index
    %get3A_186 = vector.load %arg1[%get3A_183, %get3A_184, %get3A_185] : memref<20x512x128xf32, #tpu.memory_space<vmem>>, vector<1x512x64xf32>
    %get3A_187 = vector.shape_cast %get3A_186 : vector<1x512x64xf32> to vector<512x64xf32>
    %add3A_188 = arith.addf %get3A_187, %get3A_1 : vector<512x64xf32>
    %max3A_189 = arith.constant 0.000000e+00 : f32
    %max3A_190 = vector.broadcast %max3A_189 : f32 to vector<512x64xf32>
    %max3A_191 = arith.maximumf %add3A_188, %max3A_190 : vector<512x64xf32>
    %dot_general3A_192 = arith.constant dense<0.000000e+00> : vector<512x64xf32>
    %dot_general3A_193 = tpu.matmul %max3A_191, %get3A_4, %dot_general3A_192 {dimension_numbers = #tpu.dot_dimension_numbers<[1], [0], [0], [1], [0, 0, 1, 1], [], []>, transpose_lhs_hint = false} : vector<512x64xf32>, vector<64x64xf32>, vector<512x64xf32> -> vector<512x64xf32>
    %max3A_194 = arith.maximumf %max3A_182, %dot_general3A_193 : vector<512x64xf32>
    %get3A_195 = arith.constant 16 : index
    %get3A_196 = arith.constant 0 : index
    %get3A_197 = arith.constant 0 : index
    %get3A_198 = vector.load %arg1[%get3A_195, %get3A_196, %get3A_197] : memref<20x512x128xf32, #tpu.memory_space<vmem>>, vector<1x512x64xf32>
    %get3A_199 = vector.shape_cast %get3A_198 : vector<1x512x64xf32> to vector<512x64xf32>
    %add3A_200 = arith.addf %get3A_199, %get3A_1 : vector<512x64xf32>
    %max3A_201 = arith.constant 0.000000e+00 : f32
    %max3A_202 = vector.broadcast %max3A_201 : f32 to vector<512x64xf32>
    %max3A_203 = arith.maximumf %add3A_200, %max3A_202 : vector<512x64xf32>
    %dot_general3A_204 = arith.constant dense<0.000000e+00> : vector<512x64xf32>
    %dot_general3A_205 = tpu.matmul %max3A_203, %get3A_4, %dot_general3A_204 {dimension_numbers = #tpu.dot_dimension_numbers<[1], [0], [0], [1], [0, 0, 1, 1], [], []>, transpose_lhs_hint = false} : vector<512x64xf32>, vector<64x64xf32>, vector<512x64xf32> -> vector<512x64xf32>
    %max3A_206 = arith.maximumf %max3A_194, %dot_general3A_205 : vector<512x64xf32>
    %get3A_207 = arith.constant 17 : index
    %get3A_208 = arith.constant 0 : index
    %get3A_209 = arith.constant 0 : index
    %get3A_210 = vector.load %arg1[%get3A_207, %get3A_208, %get3A_209] : memref<20x512x128xf32, #tpu.memory_space<vmem>>, vector<1x512x64xf32>
    %get3A_211 = vector.shape_cast %get3A_210 : vector<1x512x64xf32> to vector<512x64xf32>
    %add3A_212 = arith.addf %get3A_211, %get3A_1 : vector<512x64xf32>
    %max3A_213 = arith.constant 0.000000e+00 : f32
    %max3A_214 = vector.broadcast %max3A_213 : f32 to vector<512x64xf32>
    %max3A_215 = arith.maximumf %add3A_212, %max3A_214 : vector<512x64xf32>
    %dot_general3A_216 = arith.constant dense<0.000000e+00> : vector<512x64xf32>
    %dot_general3A_217 = tpu.matmul %max3A_215, %get3A_4, %dot_general3A_216 {dimension_numbers = #tpu.dot_dimension_numbers<[1], [0], [0], [1], [0, 0, 1, 1], [], []>, transpose_lhs_hint = false} : vector<512x64xf32>, vector<64x64xf32>, vector<512x64xf32> -> vector<512x64xf32>
    %max3A_218 = arith.maximumf %max3A_206, %dot_general3A_217 : vector<512x64xf32>
    %get3A_219 = arith.constant 18 : index
    %get3A_220 = arith.constant 0 : index
    %get3A_221 = arith.constant 0 : index
    %get3A_222 = vector.load %arg1[%get3A_219, %get3A_220, %get3A_221] : memref<20x512x128xf32, #tpu.memory_space<vmem>>, vector<1x512x64xf32>
    %get3A_223 = vector.shape_cast %get3A_222 : vector<1x512x64xf32> to vector<512x64xf32>
    %add3A_224 = arith.addf %get3A_223, %get3A_1 : vector<512x64xf32>
    %max3A_225 = arith.constant 0.000000e+00 : f32
    %max3A_226 = vector.broadcast %max3A_225 : f32 to vector<512x64xf32>
    %max3A_227 = arith.maximumf %add3A_224, %max3A_226 : vector<512x64xf32>
    %dot_general3A_228 = arith.constant dense<0.000000e+00> : vector<512x64xf32>
    %dot_general3A_229 = tpu.matmul %max3A_227, %get3A_4, %dot_general3A_228 {dimension_numbers = #tpu.dot_dimension_numbers<[1], [0], [0], [1], [0, 0, 1, 1], [], []>, transpose_lhs_hint = false} : vector<512x64xf32>, vector<64x64xf32>, vector<512x64xf32> -> vector<512x64xf32>
    %max3A_230 = arith.maximumf %max3A_218, %dot_general3A_229 : vector<512x64xf32>
    %get3A_231 = arith.constant 19 : index
    %get3A_232 = arith.constant 0 : index
    %get3A_233 = arith.constant 0 : index
    %get3A_234 = vector.load %arg1[%get3A_231, %get3A_232, %get3A_233] : memref<20x512x128xf32, #tpu.memory_space<vmem>>, vector<1x512x64xf32>
    %get3A_235 = vector.shape_cast %get3A_234 : vector<1x512x64xf32> to vector<512x64xf32>
    %add3A_236 = arith.addf %get3A_235, %get3A_1 : vector<512x64xf32>
    %max3A_237 = arith.constant 0.000000e+00 : f32
    %max3A_238 = vector.broadcast %max3A_237 : f32 to vector<512x64xf32>
    %max3A_239 = arith.maximumf %add3A_236, %max3A_238 : vector<512x64xf32>
    %dot_general3A_240 = arith.constant dense<0.000000e+00> : vector<512x64xf32>
    %dot_general3A_241 = tpu.matmul %max3A_239, %get3A_4, %dot_general3A_240 {dimension_numbers = #tpu.dot_dimension_numbers<[1], [0], [0], [1], [0, 0, 1, 1], [], []>, transpose_lhs_hint = false} : vector<512x64xf32>, vector<64x64xf32>, vector<512x64xf32> -> vector<512x64xf32>
    %max3A_242 = arith.maximumf %max3A_230, %dot_general3A_241 : vector<512x64xf32>
    %get3A_243 = arith.constant 0 : index
    %get3A_244 = arith.constant 0 : index
    %get3A_245 = vector.load %arg4[%get3A_243, %get3A_244] : memref<1x64xf32, #tpu.memory_space<vmem>>, vector<1x64xf32>
    %add3A_246 = vector.broadcast %get3A_245 : vector<1x64xf32> to vector<512x64xf32>
    %add3A_247 = arith.addf %max3A_242, %add3A_246 : vector<512x64xf32>
    %swap3A = arith.constant 0 : index
    %swap3A_248 = arith.constant 0 : index
    %swap3A_249 = vector.load %arg5[%swap3A, %swap3A_248] : memref<512x64xf32, #tpu.memory_space<vmem>>, vector<512x64xf32>
    tpu.vector_store %arg5[%swap3A, %swap3A_248], %add3A_247 {strides = array<i32>} : memref<512x64xf32, #tpu.memory_space<vmem>>, vector<512x64xf32>,
    return
  }
  func.func @transform_0(%arg0: i32) -> (i32, i32, i32) {
    %c0_i32 = arith.constant 0 : i32
    %c0_i32_0 = arith.constant 0 : i32
    %c0_i32_1 = arith.constant 0 : i32
    return %c0_i32, %arg0, %c0_i32_0 : i32, i32, i32
  }
  func.func @transform_1(%arg0: i32) -> (i32, i32) {
    %c0_i32 = arith.constant 0 : i32
    %c0_i32_0 = arith.constant 0 : i32
    return %arg0, %c0_i32 : i32, i32
  }
  func.func @transform_2(%arg0: i32) -> (i32, i32) {
    %c0_i32 = arith.constant 0 : i32
    %c0_i32_0 = arith.constant 0 : i32
    %c0_i32_1 = arith.constant 0 : i32
    return %c0_i32, %c0_i32_0 : i32, i32
  }
  func.func @transform_3(%arg0: i32) -> (i32, i32) {
    %c0_i32 = arith.constant 0 : i32
    %c0_i32_0 = arith.constant 0 : i32
    %c0_i32_1 = arith.constant 0 : i32
    return %c0_i32, %c0_i32_0 : i32, i32
  }
  func.func @transform_4(%arg0: i32) -> (i32, i32) {
    %c0_i32 = arith.constant 0 : i32
    %c0_i32_0 = arith.constant 0 : i32
    return %arg0, %c0_i32 : i32, i32
  }
}

</mosaic_0001>

<sc_bundles>
// kernel: kernel.5.cloned.1.call-start
scs
__scs_entry_jumppad:
0x0: {  	(pc) =	sbr.rel $0x88, $3  }
0x1: {  	(tag) =	ssettag $0x0;
	lr =	simm.s32 $0x1  }
0x2: {  	[smem:$0x3F9B] =	sst lr;
	_ =	strace $0xD0000000  }
0x3: {  	_ = 	snop  }
0x4: {  	_ = 	snop  }
0x5: {  	_ = 	snop  }
0x6: {  	_ = 	snop  }
0x7: {  	_ = 	snop  }
__scs_overlays_trampoline_lowered:
0x8: {  	[smem:$0x3FAA] =	sst s0  }
0x9: {  	[smem:$0x3FAB] =	sst s1  }
0xa: {  	[smem:$0x3FAC] =	sst s2  }
0xb: {  	[smem:$0x3FAD] =	sst s3  }
0xc: {  	[smem:$0x3FAE] =	sst s4  }
0xd: {  	[smem:$0x3FAF] =	sst s5  }
0xe: {  	[smem:$0x3FB0] =	sst s6  }
0xf: {  	[smem:$0x3FB1] =	sst s7  }
0x10: {  	[smem:$0x3FB2] =	sst s8  }
0x11: {  	[smem:$0x3FB3] =	sst s9;
	s0 =	simm.s32 @!p0 $0x0  }
0x12: {  	s1 =	sld [smem:$0x3F99];
	s0 =	simm.s32 @p0 $0x1  }
0x13: {  	[smem:$0x3FB4] =	sst s0;
	s0 =	simm.s32 @!p1 $0x0  }
0x14: {  	s2 =	sld [smem:$0x3F98];
	s0 =	simm.s32 @p1 $0x1  }
0x15: {  	[smem:$0x3FB5] =	sst s0;
	s0 =	simm.s32 @!p2 $0x0  }
0x16: {  	s3 =	sld [smem:$0x3FDB];
	s0 =	simm.s32 @p2 $0x1  }
0x17: {  	s4 =	simm.s32 $0x1BF5;
	[smem:$0x3FB7] =	sst s0  }
0x18: {  	s0 =	sld [smem:$0x3F9A];
	_ =	swait.ge [sflag:s4], $0x0  }
0x19: {  	s7 =	sld [smem:$0x3F9B]  }
0x1a: {  	s8 =	sadd.s32 $0xFFFFE003, lr  }
0x1b: {  	s9 =	sadd.s32 $0xFFFFFEF7, lr;
	s5 =	simm.s32 $0xFFFFFFFF;
	p2 =	slt.u32 s8, $0xFFFFF086  }
0x1c: {  	p1 =	slt.u32 s9, $0xF7A;
	s5 =	simm.s32 @!p2 $0x0  }
0x1d: {  	s5 =	simm.s32 @p1 $0x1;
	p0 =	seq.s32 s7, s2  }
0x1e: {  	s7 =	smul.u32 @!p0 $0xF7A, s2;
	p2 =	seq.s32 @!p0 s5, $0x0  }
0x1f: {  	s9 =	smul.u32 $0xF7A, s1;
	s8 =	simm.s32 @!p0 $0x1BF5;
	p2 =	por !p2, p0  }
0x20: {  	[sflag:s8] =	ssyncset.s32 @!p0 $0xFFFFF086;
	s6 =	sadd.s32 @!p0 s3, s7;
	s7 =	simm.s32 @!p0 $0x108  }
0x21: {  	s3 =	sadd.s32 s3, s9;
	s6 =	sadd.s32 @!p0 $0x88, s6;
	s7 =	simm.s32 @p2 $0x1082  }
0x22: {  	[simem:s7], [sflag:s8] =	dma.local @!p0 [hbm:s6], $0xF7A  }
0x23: {  	s9 =	sor.u32 $0xD0000000, s2;
	s6 =	simm.s32 $0x108;
	_ =	swait.ge @!p0 [sflag:s8], $0x0  }
0x24: {  	s3 =	sadd.s32 $0x88, s3;
	s6 =	simm.s32 @!p1 $0x1082;
	[sflag:s4] =	ssyncset.s32 $0xFFFFF086  }
0x25: {  	[simem:s6], [sflag:s4] =	dma.local [hbm:s3], $0xF7A  }
0x26: {  	[smem:$0x3F9B] =	sst s1;
	(tag) =	ssettag s2;
	_ =	strace s9  }
0x27: {  	s1 =	sld [smem:$0x3FAB]  }
0x28: {  	s2 =	sld [smem:$0x3FAC]  }
0x29: {  	s4 =	sld [smem:$0x3FAE]  }
0x2a: {  	p0 =	seq.s32 s5, $0x0;
	s5 =	sld [smem:$0x3FAF]  }
0x2b: {  	s6 =	sld [smem:$0x3FB0]  }
0x2c: {  	s7 =	sld [smem:$0x3FB1]  }
0x2d: {  	s3 =	simm.s32 $0x108;
	s8 =	sld [smem:$0x3FB2]  }
0x2e: {  	s3 =	simm.s32 @!p0 $0x1082;
	s9 =	sld [smem:$0x3FB3]  }
0x2f: {  	lr =	sadd.s32 s0, s3;
	s0 =	sld [smem:$0x3FAA]  }
0x30: {  	s3 =	sld [smem:$0x3FAD]  }
0x31: {  	[smem:$0x3FB6] =	sst s10  }
0x32: {  	s10 =	sld [smem:$0x3FB4];
	_ =	sdelay $0x3  }
0x33: {  	p0 =	seq.s32 s10, $0x1;
	s10 =	sld [smem:$0x3FB6];
	_ =	sdelay $0x3  }
0x34: {  	[smem:$0x3FB6] =	sst s10  }
0x35: {  	s10 =	sld [smem:$0x3FB5];
	_ =	sdelay $0x3  }
0x36: {  	p1 =	seq.s32 s10, $0x1;
	s10 =	sld [smem:$0x3FB6];
	_ =	sdelay $0x3  }
0x37: {  	[smem:$0x3FB6] =	sst s10  }
0x38: {  	s10 =	sld [smem:$0x3FB7]  }
0x39: {  	_ = 	snop;
	(pc) =	sbr.ind lr, $3  }
0x3a: {  	_ = 	snop  }
0x3b: {  	_ = 	snop  }
0x3c: {  	p2 =	seq.s32 s10, $0x1;
	s10 =	sld [smem:$0x3FB6]  }
0x3d: {  	_ =	shalt  }
0x3e: {  	_ =	shalt  }
0x3f: {  	_ =	shalt  }
0x40: {  	_ =	shalt  }
0x41: {  	_ =	shalt  }
0x42: {  	_ =	shalt  }
0x43: {  	_ =	shalt  }
0x44: {  	_ =	shalt  }
0x45: {  	_ =	shalt  }
0x46: {  	_ =	shalt  }
0x47: {  	_ =	shalt  }
0x48: {  	_ =	shalt  }
0x49: {  	_ =	shalt  }
0x4a: {  	_ =	shalt  }
0x4b: {  	_ =	shalt  }
0x4c: {  	_ =	shalt  }
0x4d: {  	_ =	shalt  }
0x4e: {  	_ =	shalt  }
0x4f: {  	_ =	shalt  }
0x50: {  	_ =	shalt  }
0x51: {  	_ =	shalt  }
0x52: {  	_ =	shalt  }
0x53: {  	_ =	shalt  }
0x54: {  	_ =	shalt  }
0x55: {  	_ =	shalt  }
0x56: {  	_ =	shalt  }
0x57: {  	_ =	shalt  }
0x58: {  	_ =	shalt  }
0x59: {  	_ =	shalt  }
0x5a: {  	_ =	shalt  }
0x5b: {  	_ =	shalt  }
0x5c: {  	_ =	shalt  }
0x5d: {  	_ =	shalt  }
0x5e: {  	_ =	shalt  }
0x5f: {  	_ =	shalt  }
0x60: {  	_ =	shalt  }
0x61: {  	_ =	shalt  }
0x62: {  	_ =	shalt  }
0x63: {  	_ =	shalt  }
0x64: {  	_ =	shalt  }
0x65: {  	_ =	shalt  }
0x66: {  	_ =	shalt  }
0x67: {  	_ =	shalt  }
0x68: {  	_ =	shalt  }
0x69: {  	_ =	shalt  }
0x6a: {  	_ =	shalt  }
0x6b: {  	_ =	shalt  }
0x6c: {  	_ =	shalt  }
0x6d: {  	_ =	shalt  }
0x6e: {  	_ =	shalt  }
0x6f: {  	_ =	shalt  }
0x70: {  	_ =	shalt  }
0x71: {  	_ =	shalt  }
0x72: {  	_ =	shalt  }
0x73: {  	_ =	shalt  }
0x74: {  	_ =	shalt  }
0x75: {  	_ =	shalt  }
0x76: {  	_ =	shalt  }
0x77: {  	_ =	shalt  }
0x78: {  	_ =	shalt  }
0x79: {  	_ =	shalt  }
0x7a: {  	_ =	shalt  }
0x7b: {  	_ =	shalt  }
0x7c: {  	_ =	shalt  }
0x7d: {  	_ =	shalt  }
0x7e: {  	_ =	shalt  }
0x7f: {  	_ =	shalt  }
0x80: {  	_ =	shalt  }
0x81: {  	_ =	shalt  }
0x82: {  	_ =	shalt  }
0x83: {  	_ =	shalt  }
0x84: {  	_ =	shalt  }
0x85: {  	_ =	shalt  }
0x86: {  	_ =	shalt  }
0x87: {  	_ =	shalt  }
.Lfunc_end0:
.L_simem_size_0:
called_computation_lowered:
.L_overlay_start_0:
0x88: {  	s2 =	sld [smem:$0x3FD9]  }
0x89: {  	s3 =	sld [smem:$0x3FFE];
	_ =	sdelay $0x1  }
0x8a: {  	s1 =	srdreg.scid  }
0x8b: {  	s0 =	sand.u32 $0x1, s1  }
0x8c: {  	s17 =	sshll.u32 s0, $0xA;
	s2 =	sadd.s32 s3, s2  }
0x8d: {  	s2 =	sadd.s32 s2, s17  }
0x8e: {  	[smem:$0x3FC2] =	sst s2  }
0x8f: {  	_ = 	snop  }
0x90: {  	s2 =	sld [smem:$0x3FD0];
	(tm) =	ssettm $0x1  }
0x91: {  	s18 =	sld [smem:$0x3FFB];
	_ =	sdelay $0x3  }
0x92: {  	_ =	strace s18  }
0x93: {  	s3 =	sld [smem:$0x3FFC];
	_ =	sdelay $0x3  }
0x94: {  	_ =	strace s3  }
0x95: {  	s3 =	sld [smem:$0x3FFD];
	_ =	sdelay $0x3  }
0x96: {  	_ =	strace s3  }
0x97: {  	_ =	strace $0x8FFFFFFF  }
0x98: {  	s19 =	sld [smem:$0x3FDB];
	_ =	sdelay $0x1  }
0x99: {  	s4 =	simm.s32 $_scs_section_size  }
0x9a: {  	s5 =	simm.s32 $_size__tile_overlayer_lowered;
	s6 =	simm.s32 $_tile_overlayer_lowered  }
0x9b: {  	s22 =	simm.s32 $0x1BFF;
	s21 =	sshll.u32 s6, $0x1;
	s3 =	sadd.s32 s4, s19  }
0x9c: {  	s7 =	simm.s32 $0x0;
	s20 =	sshll.u32 s5, $0x1;
	s5 =	sadd.s32 s21, s3  }
0x9d: {  	[timem:s7], [sflag:s22] =	dma.local [hbm:s5], s20  }
0x9e: {  	_ =	swait.ge [sflag:s22], s20  }
0x9f: {  	s4 =	ssub.s32 $0x0, s20;
	[sflag:s22] =	ssyncset.done $0x0  }
0xa0: {  	[sflag:s22] =	ssyncadd.s32 s4;
	_ =	sdelay $0x1  }
0xa1: {  	s23 =	simm.s32 $0x1B8B  }
0xa2: {  	_ =	swait.ge [sflag:s23], $0x1  }
0xa3: {  	[sflag:s23] =	ssyncset.done $0x0  }
0xa4: {  	s25 =	simm.s32 $0x1B8E;
	s24 =	sld [smem:$0x3FFE];
	[sflag:s23] =	ssyncadd.s32 $0xFFFFFFFF  }
0xa5: {  	s26 =	simm.s32 $execute0_lowered;
	[smem:$0x3FD2] =	sst s25  }
0xa6: {  	s5 =	sshll.u32 s26, $0x1;
	_ =	strace $0x80000046;
	[dreg:$0x1] =	wrdreg $0xFFFFFFFF  }
0xa7: {  	s28 =	simm.s32 $_size_execute0_lowered;
	s3 =	sadd.s32 s3, s5;
	[dreg:$0x0] =	wrdreg $0x0  }
0xa8: {  	s5 =	sshll.u32 s28, $0x1;
	[dreg:$0x2] =	wrdreg s3  }
0xa9: {  	[dreg:$0x3] =	wrdreg s5  }
0xaa: {  	[dreg:$0x4] =	wrdreg $0xC0  }
0xab: {  	_ =	task [dreg:s7], $0x5FFFF  }
0xac: {  	[dreg:$0x1] =	wrdreg $0xFFFFFFFF  }
0xad: {  	[dreg:$0x0] =	wrdreg $0x60  }
0xae: {  	[dreg:$0x2] =	wrdreg s24  }
0xaf: {  	[dreg:$0x3] =	wrdreg s2  }
0xb0: {  	[dreg:$0x4] =	wrdreg $0x9  }
0xb1: {  	_ =	task.clear_ibuf [dreg:s7], $0x5FFFF;
	_ =	strace $0x90000046  }
0xb2: {  	s29 =	simm.s32 $0x9;
	_ =	strace $0x80000048  }
0xb3: {  	_ =	swait.ge [sflag:s29], $0x1  }
0xb4: {  	[sflag:s29] =	ssyncadd.s32 $0xFFFFFFFF  }
0xb5: {  	_ =	strace $0x90000048  }
0xb6: {  	_ =	sfence  }
0xb7: {  	s30 =	sld [smem:$0x0];
	_ =	sdelay $0x2  }
0xb8: {  	s31 =	sshll.u32 s1, $0xD;
	s1 =	sshrl.u32 s1, $0x2  }
0xb9: {  	s3 =	sand.u32 $0x4000, s31;
	s1 =	sadd.s32 s1, s30  }
0xba: {  	s0 =	sor.u32 s3, s0;
	s1 =	sshll.u32 s1, $0x11  }
0xbb: {  	s0 =	sor.u32 s1, s0  }
0xbc: {  	s0 =	sadd.s32 $0x8F2B, s0  }
0xbd: {  	[sflag:s0] =	ssyncadd.remote.s32 $0x1  }
0xbe: {  	_ =	sfence.sel $0xFFFF  }
0xbf: {  	[dreg:$0x0] =	wrdreg $0xFFFFFFFF;
	(pc) =	sbr.abs _section_cstart, $3  }
0xc0: {  	[dreg:$0x1] =	wrdreg $0xFFFFFFFF  }
0xc1: {  	_ =	task.clear_ibuf [dreg:s7], $0x2FFFF;
	_ =	strace $0x9FFFFFFF  }
0xc2: {  	(tm) =	ssettm $0x7FFFFFFF  }
0xc3: {  	_ =	shalt  }
tec
execute0_lowered:
.L_overlay_start_1:
0x0: {  	(tag) =	ssettag $0x1  }
0x1: {  	s4 =	rddreg [dreg:$0x0]  }
0x2: {  	s6 =	rddreg [dreg:$0x1]  }
0x3: {  	s0 =	rddreg [dreg:$0x2];
	s1 =	stileid.u32  }
0x4: {  	s2 =	simm.s32 $0x0;
	s3 =	srdreg.scid;
	s12 =	simm.s32 $0x8200  }
0x5: {  	s13 =	simm.s32 $0x180;
	s14 =	simm.s32 $0xC200;
	s5 =	smul.u32 $0x28000, s1  }
0x6: {  	s15 =	simm.s32 $0x1;
	s7 =	sand.u32 $0x1, s3;
	s8 =	smul.u32 $0x2800, s1  }
0x7: {  	s16 =	simm.s32 $0x0;
	[smem:$0x7FF] =	sst s2;
	s10 =	smul.u32 $0x1400, s7  }
0x8: {  	s3 =	sadd.s32 $0x1400, s4;
	s9 =	ssub.s32 $0x2, s7;
	s7 =	smul.u32 $0x14000, s7  }
0x9: {  	_ =	strace $0x80000047;
	s11 =	sshrl.u32 s9, $0x1;
	s5 =	sadd.s32 s5, s4  }
0xa: {  	s30 =	ssub.s32 s9, s11;
	s8 =	sadd.s32 s10, s8;
	s5 =	sadd.s32 s7, s5  }
0xb: {  	s7 =	simm.s32 $0x2;
	s9 =	simm.s32 $0x200;
	s10 =	simm.s32 $0x4200  }
0xc: {  	s11 =	simm.s32 $0x100;
	s4 =	smax.u32 s30, $0x1;
	s31 =	sshrl.u32 s8, $0x3  }
0xd: {  	s5 =	sadd.s32 $0x21400, s5;
	s8 =	simm.s32 $0x80;
	s6 =	sadd.s32 s31, s6  }
.LBB2_1:
0xe: {  	s17 =	sadd.s32 $0x0, s6  }
0xf: {  	[tilespmem:s2], [sflag:$0x2] =	stream.linear.gather [hbm4b:s17+s2], $0x200, $0x38;
	[tilespmem:$0x10200] =	vst v63  }
0x10: {  	_ =	swait.ge [sflag:s7], $0x200  }
0x11: {  	[sflag:s7] =	ssyncset.done $0x0  }
0x12: {  	[sflag:s7] =	ssyncadd.s32 $0xFFFFFE00  }
0x13: {  	[tilespmem:s9], [sflag:$0x1] =	stream.indirect.gather [hbm4b:s3+s8], $0x80, s2, s8, $0xb8;
	[tilespmem:$0x10200] =	vst v63  }
0x14: {  	_ = 	snop  }
0x15: {  	[tilespmem:s10], [sflag:$0x1] =	stream.indirect.gather [hbm4b:s3+s8], $0x80, s8, s8, $0xb8;
	[tilespmem:$0x10200] =	vst v63  }
0x16: {  	_ = 	snop  }
0x17: {  	[tilespmem:s12], [sflag:$0x1] =	stream.indirect.gather [hbm4b:s3+s8], $0x80, s11, s8, $0xb8;
	[tilespmem:$0x10200] =	vst v63  }
0x18: {  	_ = 	snop  }
0x19: {  	[tilespmem:s14], [sflag:$0x1] =	stream.indirect.gather [hbm4b:s3+s8], $0x80, s13, s8, $0xb8;
	[tilespmem:$0x10200] =	vst v63  }
0x1a: {  	_ =	swait.ge [sflag:s15], $0x4000  }
0x1b: {  	[sflag:s15] =	ssyncset.done $0x0  }
0x1c: {  	[sflag:s15] =	ssyncadd.s32 $0xFFFFC000  }
0x1d: {  	_ =	swait.ge [sflag:s15], $0x4000  }
0x1e: {  	[sflag:s15] =	ssyncset.done $0x0  }
0x1f: {  	[sflag:s15] =	ssyncadd.s32 $0xFFFFC000  }
0x20: {  	_ =	swait.ge [sflag:s15], $0x4000  }
0x21: {  	[sflag:s15] =	ssyncset.done $0x0  }
0x22: {  	[sflag:s15] =	ssyncadd.s32 $0xFFFFC000  }
0x23: {  	_ =	swait.ge [sflag:s15], $0x4000  }
0x24: {  	[sflag:s15] =	ssyncset.done $0x0  }
0x25: {  	[sflag:s15] =	ssyncadd.s32 $0xFFFFC000  }
0x26: {  	[hbm4b:s5+s2] =	stream.linear.scatter [tilespmem:s9], [sflag:$0x2], $0x10000, $0x38;
	[tilespmem:$0x10200] =	vst v63  }
0x27: {  	s18 =	simm.s32 $0x40;
	_ =	swait.ge [sflag:s7], $0x10000  }
0x28: {  	s19 =	simm.s32 $0x80;
	s17 =	sadd.s32 $0x2000, s5;
	[sflag:s7] =	ssyncset.done $0x0  }
.LBB2_2:
0x29: {  	s20 =	sadd.s32 s18, s6  }
0x2a: {  	[sflag:s7] =	ssyncadd.s32 $0xFFFF0000;
	s18 =	smov.u32 s19;
	s21 =	sadd.s32 $0x40, s19  }
0x2b: {  	[tilespmem:s2], [sflag:$0x2] =	stream.linear.gather [hbm4b:s20+s2], $0x200, $0x38;
	[tilespmem:$0x10200] =	vst v63  }
0x2c: {  	p0 =	sne.s32 s19, $0x240;
	_ =	swait.ge [sflag:s7], $0x200  }
0x2d: {  	[sflag:s7] =	ssyncset.done $0x0  }
0x2e: {  	[sflag:s7] =	ssyncadd.s32 $0xFFFFFE00  }
0x2f: {  	[tilespmem:s9], [sflag:$0x1] =	stream.indirect.gather [hbm4b:s3+s8], $0x80, s2, s8, $0xb8;
	[tilespmem:$0x10200] =	vst v63  }
0x30: {  	_ = 	snop  }
0x31: {  	[tilespmem:s10], [sflag:$0x1] =	stream.indirect.gather [hbm4b:s3+s8], $0x80, s8, s8, $0xb8;
	[tilespmem:$0x10200] =	vst v63  }
0x32: {  	_ = 	snop  }
0x33: {  	[tilespmem:s12], [sflag:$0x1] =	stream.indirect.gather [hbm4b:s3+s8], $0x80, s11, s8, $0xb8;
	[tilespmem:$0x10200] =	vst v63  }
0x34: {  	_ = 	snop  }
0x35: {  	[tilespmem:s14], [sflag:$0x1] =	stream.indirect.gather [hbm4b:s3+s8], $0x80, s13, s8, $0xb8;
	[tilespmem:$0x10200] =	vst v63  }
0x36: {  	_ =	swait.ge [sflag:s15], $0x4000  }
0x37: {  	[sflag:s15] =	ssyncset.done $0x0  }
0x38: {  	[sflag:s15] =	ssyncadd.s32 $0xFFFFC000  }
0x39: {  	_ =	swait.ge [sflag:s15], $0x4000  }
0x3a: {  	[sflag:s15] =	ssyncset.done $0x0  }
0x3b: {  	[sflag:s15] =	ssyncadd.s32 $0xFFFFC000  }
0x3c: {  	_ =	swait.ge [sflag:s15], $0x4000  }
0x3d: {  	[sflag:s15] =	ssyncset.done $0x0  }
0x3e: {  	[sflag:s15] =	ssyncadd.s32 $0xFFFFC000  }
0x3f: {  	_ =	swait.ge [sflag:s15], $0x4000  }
.Ltmp0:
0x40: {  	[sflag:s15] =	ssyncset.done $0x0;
	(pc) =	sbr.rel @p0 .LBB2_2-.Ltmp0, $4  }
0x41: {  	[sflag:s15] =	ssyncadd.s32 $0xFFFFC000  }
0x42: {  	[hbm4b:s17+s2] =	stream.linear.scatter [tilespmem:s9], [sflag:$0x2], $0x10000, $0x38;
	[tilespmem:$0x10200] =	vst v63  }
0x43: {  	_ =	swait.ge [sflag:s7], $0x10000  }
0x44: {  	s19 =	smov.u32 s21;
	s17 =	sadd.s32 $0x2000, s17;
	[sflag:s7] =	ssyncset.done $0x0  }
0x45: {  	s18 =	sadd.s32 s18, s6;
	[sflag:s7] =	ssyncadd.s32 $0xFFFF0000  }
0x46: {  	[tilespmem:s2], [sflag:$0x2] =	stream.linear.gather [hbm4b:s18+s2], $0x200, $0x38;
	[tilespmem:$0x10200] =	vst v63  }
0x47: {  	_ =	swait.ge [sflag:s7], $0x200  }
0x48: {  	[sflag:s7] =	ssyncset.done $0x0  }
0x49: {  	[sflag:s7] =	ssyncadd.s32 $0xFFFFFE00  }
0x4a: {  	[tilespmem:s9], [sflag:$0x1] =	stream.indirect.gather [hbm4b:s3+s8], $0x80, s2, s8, $0xb8;
	[tilespmem:$0x10200] =	vst v63  }
0x4b: {  	_ = 	snop  }
0x4c: {  	[tilespmem:s10], [sflag:$0x1] =	stream.indirect.gather [hbm4b:s3+s8], $0x80, s8, s8, $0xb8;
	[tilespmem:$0x10200] =	vst v63  }
0x4d: {  	_ = 	snop  }
0x4e: {  	[tilespmem:s12], [sflag:$0x1] =	stream.indirect.gather [hbm4b:s3+s8], $0x80, s11, s8, $0xb8;
	[tilespmem:$0x10200] =	vst v63  }
0x4f: {  	_ = 	snop  }
0x50: {  	[tilespmem:s14], [sflag:$0x1] =	stream.indirect.gather [hbm4b:s3+s8], $0x80, s13, s8, $0xb8;
	[tilespmem:$0x10200] =	vst v63  }
0x51: {  	_ =	swait.ge [sflag:s15], $0x4000  }
0x52: {  	[sflag:s15] =	ssyncset.done $0x0  }
0x53: {  	[sflag:s15] =	ssyncadd.s32 $0xFFFFC000  }
0x54: {  	_ =	swait.ge [sflag:s15], $0x4000  }
0x55: {  	[sflag:s15] =	ssyncset.done $0x0  }
0x56: {  	[sflag:s15] =	ssyncadd.s32 $0xFFFFC000  }
0x57: {  	_ =	swait.ge [sflag:s15], $0x4000  }
0x58: {  	[sflag:s15] =	ssyncset.done $0x0  }
0x59: {  	[sflag:s15] =	ssyncadd.s32 $0xFFFFC000  }
0x5a: {  	s16 =	sadd.s32 $0x1, s16;
	_ =	swait.ge [sflag:s15], $0x4000  }
0x5b: {  	p0 =	sne.s32 s16, s4;
	[sflag:s15] =	ssyncset.done $0x0  }
.Ltmp1:
0x5c: {  	[sflag:s15] =	ssyncadd.s32 $0xFFFFC000;
	(pc) =	sbr.rel @p0 .LBB2_1-.Ltmp1, $4  }
0x5d: {  	[hbm4b:s17+s2] =	stream.linear.scatter [tilespmem:s9], [sflag:$0x2], $0x10000, $0x38;
	[tilespmem:$0x10200] =	vst v63  }
0x5e: {  	_ =	swait.ge [sflag:s7], $0x10000  }
0x5f: {  	[sflag:s7] =	ssyncset.done $0x0  }
0x60: {  	[sflag:s7] =	ssyncadd.s32 $0xFFFF0000  }
0x61: {  	_ =	sfence.sel $0x180000  }
0x62: {  	[bflag:$0x0] =	sbarrier.arrive $0xFFFF  }
0x63: {  	p0 =	sne.s32 s1, $0x0;
	_ =	strace $0x90000047  }
0x64: {  	s0 =	sadd.s32 @!p0 $0x100000, s0;
	[bflag:$0x2] =	sbarrier.arrive $0xFFFF  }
0x65: {  	[sflag:s0] =	ssyncadd.tile.s32 @!p0 $0x1;
	_ =	shalt  }
.Lfunc_end2:
_tile_overlayer_lowered:
.L_overlay_start_2:
0x66: {  	(tag) =	ssettag $0x2  }
0x67: {  	s0 =	rddreg [dreg:$0x0];
	s2 =	stileid.u32  }
0x68: {  	s1 =	rddreg [dreg:$0x1];
	p0 =	sne.s32 s2, $0x0  }
0x69: {  	s3 =	rddreg [dreg:$0x2];
	[bflag:$0x3] =	sbarrier.arrive $0xFFFF;
	s2 =	simm.s32 @!p0 $0x1C02  }
0x6a: {  	[timem:s3], [sflag:s2] =	dma.local @!p0 [hbm:s0], s1  }
0x6b: {  	s0 =	simm.s32 @!p0 $0x2  }
0x6c: {  	_ =	swait.ge @!p0 [sflag:s0], s1  }
0x6d: {  	s1 =	ssub.s32 @!p0 $0x0, s1;
	[sflag:s0] =	ssyncset.done @!p0 $0x0  }
0x6e: {  	[sflag:s0] =	ssyncadd.s32 @!p0 s1  }
0x6f: {  	[bflag:$0x3] =	sbarrier.arrive $0xFFFF  }
0x70: {  	_ =	shalt  }

</sc_bundles>
